<compile_context>
chip_gen: v7x
topology: tpu7x:2x2x1
jax: 0.10.2.dev20260603
libtpu: 0.0.44.dev20260713+nightly
codegen_flags: <defaults>
</compile_context>

<pallas_src>
import functools

import jax
import jax.numpy as jnp
from jax import lax
from jax.experimental import pallas as pl
from jax.experimental.pallas import tpu as pltpu
from jax.experimental.pallas import tpu_sc as plsc

N = 10000
E = 320000
D = 128
H = 512

NC = 2
NS = 16
NW = NC * NS

EDGES_PER_W = E // NW
BLK = 80
NSTEPS = EDGES_PER_W // BLK
NPAD = 10240
ROWS_PER_TILE = NPAD // NS
NBUF = 3


def _sc_scatter_kernel(edges_hbm, idx_hbm, out_hbm, ibuf, ebuf, shared,
                       sem_i, sem_z, sf0, sf1, sf2):
    sf = [sf0, sf1, sf2]
    cid = lax.axis_index("c")
    sid = lax.axis_index("s")
    wid = sid * NC + cid
    base = wid * EDGES_PER_W

    def _edge_slice(s):
        return edges_hbm.at[pl.ds(base + s * BLK, BLK), :]

    def _fetch_start(s, b):
        pltpu.async_copy(_edge_slice(s), ebuf.at[b], sf[b])

    def _fetch_wait(s, b):
        pltpu.make_async_copy(_edge_slice(s), ebuf.at[b], sf[b]).wait()

    idx_cp = pltpu.async_copy(idx_hbm.at[wid], ibuf, sem_i)

    zv = jnp.zeros((16,), jnp.float32)

    def _zero_row(i, _):
        def _zero_lane(k, _):
            ebuf[0, i, pl.ds(k * 16, 16)] = zv
            return 0
        return lax.fori_loop(0, D // 16, _zero_lane, 0)

    lax.fori_loop(0, BLK, _zero_row, 0)
    zcopies = []
    for c in range(ROWS_PER_TILE // BLK):
        zcopies.append(pltpu.async_copy(
            ebuf.at[0], shared.at[pl.ds(sid * ROWS_PER_TILE + c * BLK, BLK), :],
            sem_z))
    for cp in zcopies:
        cp.wait()
    plsc.subcore_barrier()

    for b in range(NBUF):
        _fetch_start(b, b)
    idx_cp.wait()

    def _do_step(s, b, prefetch):
        _fetch_wait(s, b)
        pltpu.sync_copy(ebuf.at[b], shared.at[ibuf.at[s]], add=True)
        if prefetch:
            _fetch_start(s + NBUF, b)

    def _outer(i, _):
        for b in range(NBUF):
            _do_step(i * NBUF + b, b, True)
        return 0

    lax.fori_loop(0, NSTEPS // NBUF - 1, _outer, 0)
    for s in range((NSTEPS // NBUF - 1) * NBUF, NSTEPS):
        _do_step(s, s % NBUF, s + NBUF < NSTEPS)

    plsc.subcore_barrier()
    pltpu.sync_copy(
        shared.at[pl.ds(sid * ROWS_PER_TILE, ROWS_PER_TILE), :],
        out_hbm.at[cid, pl.ds(sid * ROWS_PER_TILE, ROWS_PER_TILE), :],
    )


@jax.jit
def _sc_scatter(edge_features, src_indices):
    mesh = plsc.VectorSubcoreMesh(core_axis_name="c", subcore_axis_name="s")
    return pl.kernel(
        _sc_scatter_kernel,
        mesh=mesh,
        out_type=jax.ShapeDtypeStruct((NC, NPAD, D), jnp.float32),
        scratch_types=[
            pltpu.VMEM((NSTEPS, BLK), jnp.int32),
            pltpu.VMEM((NBUF, BLK, D), jnp.float32),
            pltpu.VMEM_SHARED((NPAD, D), jnp.float32),
        ] + [pltpu.SemaphoreType.DMA] * (NBUF + 2),
    )(edge_features, src_indices.reshape(NW, NSTEPS, BLK))


RB = 2000


def _mlp_kernel(nf_ref, parts_ref, w1_ref, b1_ref, w2_ref, b2_ref, g_ref, bt_ref, out_ref):
    nf = nf_ref[...]
    agg = parts_ref[0] + parts_ref[1]
    w1 = w1_ref[...]
    h = jnp.dot(nf, w1[:D], preferred_element_type=jnp.float32)
    h += jnp.dot(agg, w1[D:], preferred_element_type=jnp.float32)
    h += b1_ref[...]
    h = h * jax.nn.sigmoid(h)
    y = jnp.dot(h, w2_ref[...], preferred_element_type=jnp.float32) + b2_ref[...]
    mu = jnp.mean(y, axis=-1, keepdims=True)
    d = y - mu
    var = jnp.mean(d * d, axis=-1, keepdims=True)
    y = d * lax.rsqrt(var + 1e-5) * g_ref[...] + bt_ref[...]
    out_ref[...] = y + nf


@jax.jit
def _mlp(node_features, parts, W1, b1, W2, b2, gamma, beta):
    grid = (N // RB,)
    return pl.pallas_call(
        _mlp_kernel,
        grid=grid,
        in_specs=[
            pl.BlockSpec((RB, D), lambda i: (i, 0)),
            pl.BlockSpec((NC, RB, D), lambda i: (0, i, 0)),
            pl.BlockSpec((2 * D, H), lambda i: (0, 0)),
            pl.BlockSpec((1, H), lambda i: (0, 0)),
            pl.BlockSpec((H, D), lambda i: (0, 0)),
            pl.BlockSpec((1, D), lambda i: (0, 0)),
            pl.BlockSpec((1, D), lambda i: (0, 0)),
            pl.BlockSpec((1, D), lambda i: (0, 0)),
        ],
        out_specs=pl.BlockSpec((RB, D), lambda i: (i, 0)),
        out_shape=jax.ShapeDtypeStruct((N, D), jnp.float32),
    )(node_features, parts, W1, b1.reshape(1, H), W2, b2.reshape(1, D),
      gamma.reshape(1, D), beta.reshape(1, D))


def kernel(node_features, edge_features, src_indices, W1, b1, W2, b2, gamma, beta):
    parts = _sc_scatter(edge_features, src_indices)
    return _mlp(node_features, parts, W1, b1, W2, b2, gamma, beta)

# --- scband reference (transcript-rebuilt; emitter-appended) ---
"""Pipeline reference for scband-mesh-node-block-40321152975366 (READ-ONLY COPY).

The authoritative reference and input builder live on the scoring server;
editing this copy changes nothing except your own understanding.
"""

import jax, jax.numpy as jnp
import numpy as np

N, E, D, H = 10000, 320000, 128, 512

def setup_inputs(seed: int = 0) -> dict:
    key = jax.random.key(seed)
    ks = jax.random.split(key, 12)
    node_features = jax.random.normal(ks[0], (N, D), dtype=jnp.float32)
    edge_features = jax.random.normal(ks[1], (E, D), dtype=jnp.float32)
    src_indices = jax.random.randint(ks[2], (E,), 0, N, dtype=jnp.int32)
    in_dim = D + D
    W1 = jax.random.normal(ks[3], (in_dim, H), dtype=jnp.float32) / np.sqrt(in_dim)
    b1 = jnp.zeros((H,), dtype=jnp.float32)
    W2 = jax.random.normal(ks[4], (H, D), dtype=jnp.float32) / np.sqrt(H)
    b2 = jnp.zeros((D,), dtype=jnp.float32)
    gamma = jnp.ones((D,), dtype=jnp.float32)
    beta = jnp.zeros((D,), dtype=jnp.float32)
    return {"node_features": node_features, "edge_features": edge_features, "src_indices": src_indices, "W1": W1, "b1": b1, "W2": W2, "b2": b2, "gamma": gamma, "beta": beta}

def _layernorm(y, gamma, beta, eps=1e-5):
    mu = jnp.mean(y, axis=-1, keepdims=True)
    var = jnp.mean((y - mu) ** 2, axis=-1, keepdims=True)
    return (y - mu) / jnp.sqrt(var + eps) * gamma + beta

def reference(node_features, edge_features, src_indices, W1, b1, W2, b2, gamma, beta):
    num_local_nodes = node_features.shape[0]
    # scatter_add_: aggregate edge features onto source nodes
    aggregated = jnp.zeros((num_local_nodes, edge_features.shape[-1]), dtype=edge_features.dtype)
    aggregated = aggregated.at[src_indices].add(edge_features)
    x = jnp.concatenate([node_features, aggregated], axis=-1)
    # MeshGraphMLP: Linear -> SiLU -> Linear -> LayerNorm
    h = jax.nn.silu(x @ W1 + b1)
    y = h @ W2 + b2
    y = _layernorm(y, gamma, beta)
    return y + node_features

if __name__ == "__main__":
    import jax
    _d = setup_inputs()
    print(jax.jit(kernel)(*tuple(_d.values())))

</pallas_src>

<mosaic_0001>
#map = affine_map<(d0, d1) -> (0, 0)>
#map1 = affine_map<(d0, d1) -> (0, 0, 0)>
module attributes {stable_mosaic.version = 14 : i64} {
  func.func @_sc_scatter_kernel(%arg0: i32, %arg1: i32, %arg2: memref<320000x128xf32, #tpu.memory_space<hbm>>, %arg3: memref<32x125x80xi32, #tpu.memory_space<hbm>>, %arg4: memref<2x10240x128xf32, #tpu.memory_space<hbm>>, %arg5: memref<125x80xi32, #tpu.memory_space<vmem>>, %arg6: memref<3x80x128xf32, #tpu.memory_space<vmem>>, %arg7: memref<10240x128xf32, #tpu.memory_space<vmem_shared>>, %arg8: memref<!tpu.dma_semaphore, #tpu.memory_space<semaphore_mem>>, %arg9: memref<!tpu.dma_semaphore, #tpu.memory_space<semaphore_mem>>, %arg10: memref<!tpu.dma_semaphore, #tpu.memory_space<semaphore_mem>>, %arg11: memref<!tpu.dma_semaphore, #tpu.memory_space<semaphore_mem>>, %arg12: memref<!tpu.dma_semaphore, #tpu.memory_space<semaphore_mem>>) attributes {dimension_semantics = [#tpu.dimension_semantics<core_parallel>, #tpu.dimension_semantics<subcore_parallel>], iteration_bounds = array<i64: 2, 16>, scalar_prefetch = 0 : i64, scratch_operands = 8 : i64, tpu.core_type = #tpu.core_type<sc_vector_subcore>, window_params = [{transform_indices = #map}, {transform_indices = #map1}, {transform_indices = #map1}]} {
    %mul3A = arith.constant 2 : i32
    %mul3A_0 = arith.muli %arg1, %mul3A : i32
    %add3A = arith.addi %mul3A_0, %arg0 : i32
    %mul3A_1 = arith.constant 10000 : i32
    %mul3A_2 = arith.muli %add3A, %mul3A_1 : i32
    %dma_start3A = arith.constant 0 : i32
    %dma_start3A_3 = arith.constant 0 : i32
    %dma_start3A_4 = tpu.memref_slice %arg3[%add3A, %dma_start3A, %dma_start3A_3] : memref<32x125x80xi32, #tpu.memory_space<hbm>> -> memref<1x125x80xi32, #tpu.memory_space<hbm>>
    %dma_start3A_5 = tpu.memref_squeeze %dma_start3A_4 : memref<1x125x80xi32, #tpu.memory_space<hbm>> -> memref<125x80xi32, #tpu.memory_space<hbm>>
    %dma_start3A_6 = arith.constant 0 : i32
    %dma_start3A_7 = arith.constant 0 : i32
    %dma_start3A_8 = tpu.memref_slice %arg3[%add3A, %dma_start3A_6, %dma_start3A_7] : memref<32x125x80xi32, #tpu.memory_space<hbm>> -> memref<1x125x80xi32, #tpu.memory_space<hbm>>
    %dma_start3A_9 = tpu.memref_squeeze %dma_start3A_8 : memref<1x125x80xi32, #tpu.memory_space<hbm>> -> memref<125x80xi32, #tpu.memory_space<hbm>>
    tpu.enqueue_dma source(%dma_start3A_9 : memref<125x80xi32, #tpu.memory_space<hbm>>) target(%arg5 : memref<125x80xi32, #tpu.memory_space<vmem>>) target_semaphore(%arg8 : memref<!tpu.dma_semaphore, #tpu.memory_space<semaphore_mem>>)
    %broadcast_in_dim3A = arith.constant 0.000000e+00 : f32
    %broadcast_in_dim3A_10 = vector.broadcast %broadcast_in_dim3A : f32 to vector<16xf32>
    %scan3A = arith.constant 0 : i32
    %scan3A_11 = arith.constant 0 : i32
    %scan3A_12 = arith.constant 80 : i32
    %scan3A_13 = arith.addi %scan3A_11, %scan3A_12 : i32
    %scan3A_14 = arith.constant 1 : i32
    %scan3A_15 = scf.for %scan3A_435 = %scan3A_11 to %scan3A_13 step %scan3A_14 iter_args(%scan3A_436 = %scan3A) -> (i32)  : i32 {
      %scan3A_437 = arith.constant 0 : i32
      %scan3A_438 = arith.constant 0 : i32
      %scan3A_439 = arith.constant 8 : i32
      %scan3A_440 = arith.addi %scan3A_438, %scan3A_439 : i32
      %scan3A_441 = arith.constant 1 : i32
      %scan3A_442 = scf.for %scan3A_444 = %scan3A_438 to %scan3A_440 step %scan3A_441 iter_args(%scan3A_445 = %scan3A_437) -> (i32)  : i32 {
        %mul3A_446 = arith.constant 16 : i32
        %mul3A_447 = arith.muli %scan3A_444, %mul3A_446 : i32
        %swap3A = arith.constant 0 : i32
        %swap3A_448 = arith.index_cast %swap3A : i32 to index
        %swap3A_449 = arith.index_cast %scan3A_435 : i32 to index
        %swap3A_450 = arith.index_cast %mul3A_447 : i32 to index
        %swap3A_451 = tpu.vector_load %arg6[%swap3A_448, %swap3A_449, %swap3A_450] {strides = array<i32>} : memref<3x80x128xf32, #tpu.memory_space<vmem>>, vector<1x1x16xf32>,
        %swap3A_452 = vector.shape_cast %swap3A_451 : vector<1x1x16xf32> to vector<16xf32>
        %swap3A_453 = vector.shape_cast %broadcast_in_dim3A_10 : vector<16xf32> to vector<1x1x16xf32>
        tpu.vector_store %arg6[%swap3A_448, %swap3A_449, %swap3A_450], %swap3A_453 {strides = array<i32>} : memref<3x80x128xf32, #tpu.memory_space<vmem>>, vector<1x1x16xf32>,
        %scan3A_454 = arith.constant 0 : i32
        scf.yield %scan3A_454 : i32
      }
      %scan3A_443 = arith.constant 8 : i32
      scf.yield %scan3A_442 : i32
    }
    %scan3A_16 = arith.constant 80 : i32
    %mul3A_17 = arith.constant 640 : i32
    %mul3A_18 = arith.muli %arg1, %mul3A_17 : i32
    %add3A_19 = arith.constant 0 : i32
    %add3A_20 = arith.addi %mul3A_18, %add3A_19 : i32
    %dma_start3A_21 = arith.constant 0 : i32
    %dma_start3A_22 = arith.constant 0 : i32
    %dma_start3A_23 = arith.constant 0 : i32
    %dma_start3A_24 = tpu.memref_slice %arg6[%dma_start3A_21, %dma_start3A_22, %dma_start3A_23] : memref<3x80x128xf32, #tpu.memory_space<vmem>> -> memref<1x80x128xf32, #tpu.memory_space<vmem>>
    %dma_start3A_25 = tpu.memref_squeeze %dma_start3A_24 : memref<1x80x128xf32, #tpu.memory_space<vmem>> -> memref<80x128xf32, #tpu.memory_space<vmem>>
    %dma_start3A_26 = arith.constant 0 : i32
    %dma_start3A_27 = tpu.memref_slice %arg7[%add3A_20, %dma_start3A_26] : memref<10240x128xf32, #tpu.memory_space<vmem_shared>> -> memref<80x128xf32, #tpu.memory_space<vmem_shared>>
    %dma_start3A_28 = arith.constant 0 : i32
    %dma_start3A_29 = tpu.memref_slice %arg7[%add3A_20, %dma_start3A_28] : memref<10240x128xf32, #tpu.memory_space<vmem_shared>> -> memref<80x128xf32, #tpu.memory_space<vmem_shared>>
    %dma_start3A_30 = arith.constant 0 : i32
    %dma_start3A_31 = arith.constant 0 : i32
    %dma_start3A_32 = tpu.memref_slice %arg6[%dma_start3A_21, %dma_start3A_30, %dma_start3A_31] : memref<3x80x128xf32, #tpu.memory_space<vmem>> -> memref<1x80x128xf32, #tpu.memory_space<vmem>>
    %dma_start3A_33 = tpu.memref_squeeze %dma_start3A_32 : memref<1x80x128xf32, #tpu.memory_space<vmem>> -> memref<80x128xf32, #tpu.memory_space<vmem>>
    tpu.enqueue_dma source(%dma_start3A_33 : memref<80x128xf32, #tpu.memory_space<vmem>>) target(%dma_start3A_29 : memref<80x128xf32, #tpu.memory_space<vmem_shared>>) target_semaphore(%arg9 : memref<!tpu.dma_semaphore, #tpu.memory_space<semaphore_mem>>)
    %mul3A_34 = arith.constant 640 : i32
    %mul3A_35 = arith.muli %arg1, %mul3A_34 : i32
    %add3A_36 = arith.constant 80 : i32
    %add3A_37 = arith.addi %mul3A_35, %add3A_36 : i32
    %dma_start3A_38 = arith.constant 0 : i32
    %dma_start3A_39 = arith.constant 0 : i32
    %dma_start3A_40 = arith.constant 0 : i32
    %dma_start3A_41 = tpu.memref_slice %arg6[%dma_start3A_38, %dma_start3A_39, %dma_start3A_40] : memref<3x80x128xf32, #tpu.memory_space<vmem>> -> memref<1x80x128xf32, #tpu.memory_space<vmem>>
    %dma_start3A_42 = tpu.memref_squeeze %dma_start3A_41 : memref<1x80x128xf32, #tpu.memory_space<vmem>> -> memref<80x128xf32, #tpu.memory_space<vmem>>
    %dma_start3A_43 = arith.constant 0 : i32
    %dma_start3A_44 = tpu.memref_slice %arg7[%add3A_37, %dma_start3A_43] : memref<10240x128xf32, #tpu.memory_space<vmem_shared>> -> memref<80x128xf32, #tpu.memory_space<vmem_shared>>
    %dma_start3A_45 = arith.constant 0 : i32
    %dma_start3A_46 = tpu.memref_slice %arg7[%add3A_37, %dma_start3A_45] : memref<10240x128xf32, #tpu.memory_space<vmem_shared>> -> memref<80x128xf32, #tpu.memory_space<vmem_shared>>
    %dma_start3A_47 = arith.constant 0 : i32
    %dma_start3A_48 = arith.constant 0 : i32
    %dma_start3A_49 = tpu.memref_slice %arg6[%dma_start3A_38, %dma_start3A_47, %dma_start3A_48] : memref<3x80x128xf32, #tpu.memory_space<vmem>> -> memref<1x80x128xf32, #tpu.memory_space<vmem>>
    %dma_start3A_50 = tpu.memref_squeeze %dma_start3A_49 : memref<1x80x128xf32, #tpu.memory_space<vmem>> -> memref<80x128xf32, #tpu.memory_space<vmem>>
    tpu.enqueue_dma source(%dma_start3A_50 : memref<80x128xf32, #tpu.memory_space<vmem>>) target(%dma_start3A_46 : memref<80x128xf32, #tpu.memory_space<vmem_shared>>) target_semaphore(%arg9 : memref<!tpu.dma_semaphore, #tpu.memory_space<semaphore_mem>>)
    %mul3A_51 = arith.constant 640 : i32
    %mul3A_52 = arith.muli %arg1, %mul3A_51 : i32
    %add3A_53 = arith.constant 160 : i32
    %add3A_54 = arith.addi %mul3A_52, %add3A_53 : i32
    %dma_start3A_55 = arith.constant 0 : i32
    %dma_start3A_56 = arith.constant 0 : i32
    %dma_start3A_57 = arith.constant 0 : i32
    %dma_start3A_58 = tpu.memref_slice %arg6[%dma_start3A_55, %dma_start3A_56, %dma_start3A_57] : memref<3x80x128xf32, #tpu.memory_space<vmem>> -> memref<1x80x128xf32, #tpu.memory_space<vmem>>
    %dma_start3A_59 = tpu.memref_squeeze %dma_start3A_58 : memref<1x80x128xf32, #tpu.memory_space<vmem>> -> memref<80x128xf32, #tpu.memory_space<vmem>>
    %dma_start3A_60 = arith.constant 0 : i32
    %dma_start3A_61 = tpu.memref_slice %arg7[%add3A_54, %dma_start3A_60] : memref<10240x128xf32, #tpu.memory_space<vmem_shared>> -> memref<80x128xf32, #tpu.memory_space<vmem_shared>>
    %dma_start3A_62 = arith.constant 0 : i32
    %dma_start3A_63 = tpu.memref_slice %arg7[%add3A_54, %dma_start3A_62] : memref<10240x128xf32, #tpu.memory_space<vmem_shared>> -> memref<80x128xf32, #tpu.memory_space<vmem_shared>>
    %dma_start3A_64 = arith.constant 0 : i32
    %dma_start3A_65 = arith.constant 0 : i32
    %dma_start3A_66 = tpu.memref_slice %arg6[%dma_start3A_55, %dma_start3A_64, %dma_start3A_65] : memref<3x80x128xf32, #tpu.memory_space<vmem>> -> memref<1x80x128xf32, #tpu.memory_space<vmem>>
    %dma_start3A_67 = tpu.memref_squeeze %dma_start3A_66 : memref<1x80x128xf32, #tpu.memory_space<vmem>> -> memref<80x128xf32, #tpu.memory_space<vmem>>
    tpu.enqueue_dma source(%dma_start3A_67 : memref<80x128xf32, #tpu.memory_space<vmem>>) target(%dma_start3A_63 : memref<80x128xf32, #tpu.memory_space<vmem_shared>>) target_semaphore(%arg9 : memref<!tpu.dma_semaphore, #tpu.memory_space<semaphore_mem>>)
    %mul3A_68 = arith.constant 640 : i32
    %mul3A_69 = arith.muli %arg1, %mul3A_68 : i32
    %add3A_70 = arith.constant 240 : i32
    %add3A_71 = arith.addi %mul3A_69, %add3A_70 : i32
    %dma_start3A_72 = arith.constant 0 : i32
    %dma_start3A_73 = arith.constant 0 : i32
    %dma_start3A_74 = arith.constant 0 : i32
    %dma_start3A_75 = tpu.memref_slice %arg6[%dma_start3A_72, %dma_start3A_73, %dma_start3A_74] : memref<3x80x128xf32, #tpu.memory_space<vmem>> -> memref<1x80x128xf32, #tpu.memory_space<vmem>>
    %dma_start3A_76 = tpu.memref_squeeze %dma_start3A_75 : memref<1x80x128xf32, #tpu.memory_space<vmem>> -> memref<80x128xf32, #tpu.memory_space<vmem>>
    %dma_start3A_77 = arith.constant 0 : i32
    %dma_start3A_78 = tpu.memref_slice %arg7[%add3A_71, %dma_start3A_77] : memref<10240x128xf32, #tpu.memory_space<vmem_shared>> -> memref<80x128xf32, #tpu.memory_space<vmem_shared>>
    %dma_start3A_79 = arith.constant 0 : i32
    %dma_start3A_80 = tpu.memref_slice %arg7[%add3A_71, %dma_start3A_79] : memref<10240x128xf32, #tpu.memory_space<vmem_shared>> -> memref<80x128xf32, #tpu.memory_space<vmem_shared>>
    %dma_start3A_81 = arith.constant 0 : i32
    %dma_start3A_82 = arith.constant 0 : i32
    %dma_start3A_83 = tpu.memref_slice %arg6[%dma_start3A_72, %dma_start3A_81, %dma_start3A_82] : memref<3x80x128xf32, #tpu.memory_space<vmem>> -> memref<1x80x128xf32, #tpu.memory_space<vmem>>
    %dma_start3A_84 = tpu.memref_squeeze %dma_start3A_83 : memref<1x80x128xf32, #tpu.memory_space<vmem>> -> memref<80x128xf32, #tpu.memory_space<vmem>>
    tpu.enqueue_dma source(%dma_start3A_84 : memref<80x128xf32, #tpu.memory_space<vmem>>) target(%dma_start3A_80 : memref<80x128xf32, #tpu.memory_space<vmem_shared>>) target_semaphore(%arg9 : memref<!tpu.dma_semaphore, #tpu.memory_space<semaphore_mem>>)
    %mul3A_85 = arith.constant 640 : i32
    %mul3A_86 = arith.muli %arg1, %mul3A_85 : i32
    %add3A_87 = arith.constant 320 : i32
    %add3A_88 = arith.addi %mul3A_86, %add3A_87 : i32
    %dma_start3A_89 = arith.constant 0 : i32
    %dma_start3A_90 = arith.constant 0 : i32
    %dma_start3A_91 = arith.constant 0 : i32
    %dma_start3A_92 = tpu.memref_slice %arg6[%dma_start3A_89, %dma_start3A_90, %dma_start3A_91] : memref<3x80x128xf32, #tpu.memory_space<vmem>> -> memref<1x80x128xf32, #tpu.memory_space<vmem>>
    %dma_start3A_93 = tpu.memref_squeeze %dma_start3A_92 : memref<1x80x128xf32, #tpu.memory_space<vmem>> -> memref<80x128xf32, #tpu.memory_space<vmem>>
    %dma_start3A_94 = arith.constant 0 : i32
    %dma_start3A_95 = tpu.memref_slice %arg7[%add3A_88, %dma_start3A_94] : memref<10240x128xf32, #tpu.memory_space<vmem_shared>> -> memref<80x128xf32, #tpu.memory_space<vmem_shared>>
    %dma_start3A_96 = arith.constant 0 : i32
    %dma_start3A_97 = tpu.memref_slice %arg7[%add3A_88, %dma_start3A_96] : memref<10240x128xf32, #tpu.memory_space<vmem_shared>> -> memref<80x128xf32, #tpu.memory_space<vmem_shared>>
    %dma_start3A_98 = arith.constant 0 : i32
    %dma_start3A_99 = arith.constant 0 : i32
    %dma_start3A_100 = tpu.memref_slice %arg6[%dma_start3A_89, %dma_start3A_98, %dma_start3A_99] : memref<3x80x128xf32, #tpu.memory_space<vmem>> -> memref<1x80x128xf32, #tpu.memory_space<vmem>>
    %dma_start3A_101 = tpu.memref_squeeze %dma_start3A_100 : memref<1x80x128xf32, #tpu.memory_space<vmem>> -> memref<80x128xf32, #tpu.memory_space<vmem>>
    tpu.enqueue_dma source(%dma_start3A_101 : memref<80x128xf32, #tpu.memory_space<vmem>>) target(%dma_start3A_97 : memref<80x128xf32, #tpu.memory_space<vmem_shared>>) target_semaphore(%arg9 : memref<!tpu.dma_semaphore, #tpu.memory_space<semaphore_mem>>)
    %mul3A_102 = arith.constant 640 : i32
    %mul3A_103 = arith.muli %arg1, %mul3A_102 : i32
    %add3A_104 = arith.constant 400 : i32
    %add3A_105 = arith.addi %mul3A_103, %add3A_104 : i32
    %dma_start3A_106 = arith.constant 0 : i32
    %dma_start3A_107 = arith.constant 0 : i32
    %dma_start3A_108 = arith.constant 0 : i32
    %dma_start3A_109 = tpu.memref_slice %arg6[%dma_start3A_106, %dma_start3A_107, %dma_start3A_108] : memref<3x80x128xf32, #tpu.memory_space<vmem>> -> memref<1x80x128xf32, #tpu.memory_space<vmem>>
    %dma_start3A_110 = tpu.memref_squeeze %dma_start3A_109 : memref<1x80x128xf32, #tpu.memory_space<vmem>> -> memref<80x128xf32, #tpu.memory_space<vmem>>
    %dma_start3A_111 = arith.constant 0 : i32
    %dma_start3A_112 = tpu.memref_slice %arg7[%add3A_105, %dma_start3A_111] : memref<10240x128xf32, #tpu.memory_space<vmem_shared>> -> memref<80x128xf32, #tpu.memory_space<vmem_shared>>
    %dma_start3A_113 = arith.constant 0 : i32
    %dma_start3A_114 = tpu.memref_slice %arg7[%add3A_105, %dma_start3A_113] : memref<10240x128xf32, #tpu.memory_space<vmem_shared>> -> memref<80x128xf32, #tpu.memory_space<vmem_shared>>
    %dma_start3A_115 = arith.constant 0 : i32
    %dma_start3A_116 = arith.constant 0 : i32
    %dma_start3A_117 = tpu.memref_slice %arg6[%dma_start3A_106, %dma_start3A_115, %dma_start3A_116] : memref<3x80x128xf32, #tpu.memory_space<vmem>> -> memref<1x80x128xf32, #tpu.memory_space<vmem>>
    %dma_start3A_118 = tpu.memref_squeeze %dma_start3A_117 : memref<1x80x128xf32, #tpu.memory_space<vmem>> -> memref<80x128xf32, #tpu.memory_space<vmem>>
    tpu.enqueue_dma source(%dma_start3A_118 : memref<80x128xf32, #tpu.memory_space<vmem>>) target(%dma_start3A_114 : memref<80x128xf32, #tpu.memory_space<vmem_shared>>) target_semaphore(%arg9 : memref<!tpu.dma_semaphore, #tpu.memory_space<semaphore_mem>>)
    %mul3A_119 = arith.constant 640 : i32
    %mul3A_120 = arith.muli %arg1, %mul3A_119 : i32
    %add3A_121 = arith.constant 480 : i32
    %add3A_122 = arith.addi %mul3A_120, %add3A_121 : i32
    %dma_start3A_123 = arith.constant 0 : i32
    %dma_start3A_124 = arith.constant 0 : i32
    %dma_start3A_125 = arith.constant 0 : i32
    %dma_start3A_126 = tpu.memref_slice %arg6[%dma_start3A_123, %dma_start3A_124, %dma_start3A_125] : memref<3x80x128xf32, #tpu.memory_space<vmem>> -> memref<1x80x128xf32, #tpu.memory_space<vmem>>
    %dma_start3A_127 = tpu.memref_squeeze %dma_start3A_126 : memref<1x80x128xf32, #tpu.memory_space<vmem>> -> memref<80x128xf32, #tpu.memory_space<vmem>>
    %dma_start3A_128 = arith.constant 0 : i32
    %dma_start3A_129 = tpu.memref_slice %arg7[%add3A_122, %dma_start3A_128] : memref<10240x128xf32, #tpu.memory_space<vmem_shared>> -> memref<80x128xf32, #tpu.memory_space<vmem_shared>>
    %dma_start3A_130 = arith.constant 0 : i32
    %dma_start3A_131 = tpu.memref_slice %arg7[%add3A_122, %dma_start3A_130] : memref<10240x128xf32, #tpu.memory_space<vmem_shared>> -> memref<80x128xf32, #tpu.memory_space<vmem_shared>>
    %dma_start3A_132 = arith.constant 0 : i32
    %dma_start3A_133 = arith.constant 0 : i32
    %dma_start3A_134 = tpu.memref_slice %arg6[%dma_start3A_123, %dma_start3A_132, %dma_start3A_133] : memref<3x80x128xf32, #tpu.memory_space<vmem>> -> memref<1x80x128xf32, #tpu.memory_space<vmem>>
    %dma_start3A_135 = tpu.memref_squeeze %dma_start3A_134 : memref<1x80x128xf32, #tpu.memory_space<vmem>> -> memref<80x128xf32, #tpu.memory_space<vmem>>
    tpu.enqueue_dma source(%dma_start3A_135 : memref<80x128xf32, #tpu.memory_space<vmem>>) target(%dma_start3A_131 : memref<80x128xf32, #tpu.memory_space<vmem_shared>>) target_semaphore(%arg9 : memref<!tpu.dma_semaphore, #tpu.memory_space<semaphore_mem>>)
    %mul3A_136 = arith.constant 640 : i32
    %mul3A_137 = arith.muli %arg1, %mul3A_136 : i32
    %add3A_138 = arith.constant 560 : i32
    %add3A_139 = arith.addi %mul3A_137, %add3A_138 : i32
    %dma_start3A_140 = arith.constant 0 : i32
    %dma_start3A_141 = arith.constant 0 : i32
    %dma_start3A_142 = arith.constant 0 : i32
    %dma_start3A_143 = tpu.memref_slice %arg6[%dma_start3A_140, %dma_start3A_141, %dma_start3A_142] : memref<3x80x128xf32, #tpu.memory_space<vmem>> -> memref<1x80x128xf32, #tpu.memory_space<vmem>>
    %dma_start3A_144 = tpu.memref_squeeze %dma_start3A_143 : memref<1x80x128xf32, #tpu.memory_space<vmem>> -> memref<80x128xf32, #tpu.memory_space<vmem>>
    %dma_start3A_145 = arith.constant 0 : i32
    %dma_start3A_146 = tpu.memref_slice %arg7[%add3A_139, %dma_start3A_145] : memref<10240x128xf32, #tpu.memory_space<vmem_shared>> -> memref<80x128xf32, #tpu.memory_space<vmem_shared>>
    %dma_start3A_147 = arith.constant 0 : i32
    %dma_start3A_148 = tpu.memref_slice %arg7[%add3A_139, %dma_start3A_147] : memref<10240x128xf32, #tpu.memory_space<vmem_shared>> -> memref<80x128xf32, #tpu.memory_space<vmem_shared>>
    %dma_start3A_149 = arith.constant 0 : i32
    %dma_start3A_150 = arith.constant 0 : i32
    %dma_start3A_151 = tpu.memref_slice %arg6[%dma_start3A_140, %dma_start3A_149, %dma_start3A_150] : memref<3x80x128xf32, #tpu.memory_space<vmem>> -> memref<1x80x128xf32, #tpu.memory_space<vmem>>
    %dma_start3A_152 = tpu.memref_squeeze %dma_start3A_151 : memref<1x80x128xf32, #tpu.memory_space<vmem>> -> memref<80x128xf32, #tpu.memory_space<vmem>>
    tpu.enqueue_dma source(%dma_start3A_152 : memref<80x128xf32, #tpu.memory_space<vmem>>) target(%dma_start3A_148 : memref<80x128xf32, #tpu.memory_space<vmem_shared>>) target_semaphore(%arg9 : memref<!tpu.dma_semaphore, #tpu.memory_space<semaphore_mem>>)
    %dma_wait3A = arith.constant 0 : i32
    %dma_wait3A_153 = arith.constant 0 : i32
    %dma_wait3A_154 = arith.constant 0 : i32
    %dma_wait3A_155 = tpu.memref_slice %arg6[%dma_wait3A, %dma_wait3A_153, %dma_wait3A_154] : memref<3x80x128xf32, #tpu.memory_space<vmem>> -> memref<1x80x128xf32, #tpu.memory_space<vmem>>
    %dma_wait3A_156 = tpu.memref_squeeze %dma_wait3A_155 : memref<1x80x128xf32, #tpu.memory_space<vmem>> -> memref<80x128xf32, #tpu.memory_space<vmem>>
    %dma_wait3A_157 = arith.constant 0 : i32
    %dma_wait3A_158 = tpu.memref_slice %arg7[%add3A_20, %dma_wait3A_157] : memref<10240x128xf32, #tpu.memory_space<vmem_shared>> -> memref<80x128xf32, #tpu.memory_space<vmem_shared>>
    %dma_wait3A_159 = arith.constant 0 : i32
    %dma_wait3A_160 = tpu.memref_slice %arg7[%add3A_20, %dma_wait3A_159] : memref<10240x128xf32, #tpu.memory_space<vmem_shared>> -> memref<80x128xf32, #tpu.memory_space<vmem_shared>>
    %dma_wait3A_161 = arith.constant 0 : i32
    %dma_wait3A_162 = arith.constant 0 : i32
    %dma_wait3A_163 = tpu.memref_slice %arg6[%dma_wait3A, %dma_wait3A_161, %dma_wait3A_162] : memref<3x80x128xf32, #tpu.memory_space<vmem>> -> memref<1x80x128xf32, #tpu.memory_space<vmem>>
    %dma_wait3A_164 = tpu.memref_squeeze %dma_wait3A_163 : memref<1x80x128xf32, #tpu.memory_space<vmem>> -> memref<80x128xf32, #tpu.memory_space<vmem>>
    tpu.wait_dma2 semaphore(%arg9 : memref<!tpu.dma_semaphore, #tpu.memory_space<semaphore_mem>>) src(%dma_wait3A_164 : memref<80x128xf32, #tpu.memory_space<vmem>>) dst(%dma_wait3A_160 : memref<80x128xf32, #tpu.memory_space<vmem_shared>>)
    %dma_wait3A_165 = arith.constant 0 : i32
    %dma_wait3A_166 = arith.constant 0 : i32
    %dma_wait3A_167 = arith.constant 0 : i32
    %dma_wait3A_168 = tpu.memref_slice %arg6[%dma_wait3A_165, %dma_wait3A_166, %dma_wait3A_167] : memref<3x80x128xf32, #tpu.memory_space<vmem>> -> memref<1x80x128xf32, #tpu.memory_space<vmem>>
    %dma_wait3A_169 = tpu.memref_squeeze %dma_wait3A_168 : memref<1x80x128xf32, #tpu.memory_space<vmem>> -> memref<80x128xf32, #tpu.memory_space<vmem>>
    %dma_wait3A_170 = arith.constant 0 : i32
    %dma_wait3A_171 = tpu.memref_slice %arg7[%add3A_37, %dma_wait3A_170] : memref<10240x128xf32, #tpu.memory_space<vmem_shared>> -> memref<80x128xf32, #tpu.memory_space<vmem_shared>>
    %dma_wait3A_172 = arith.constant 0 : i32
    %dma_wait3A_173 = tpu.memref_slice %arg7[%add3A_37, %dma_wait3A_172] : memref<10240x128xf32, #tpu.memory_space<vmem_shared>> -> memref<80x128xf32, #tpu.memory_space<vmem_shared>>
    %dma_wait3A_174 = arith.constant 0 : i32
    %dma_wait3A_175 = arith.constant 0 : i32
    %dma_wait3A_176 = tpu.memref_slice %arg6[%dma_wait3A_165, %dma_wait3A_174, %dma_wait3A_175] : memref<3x80x128xf32, #tpu.memory_space<vmem>> -> memref<1x80x128xf32, #tpu.memory_space<vmem>>
    %dma_wait3A_177 = tpu.memref_squeeze %dma_wait3A_176 : memref<1x80x128xf32, #tpu.memory_space<vmem>> -> memref<80x128xf32, #tpu.memory_space<vmem>>
    tpu.wait_dma2 semaphore(%arg9 : memref<!tpu.dma_semaphore, #tpu.memory_space<semaphore_mem>>) src(%dma_wait3A_177 : memref<80x128xf32, #tpu.memory_space<vmem>>) dst(%dma_wait3A_173 : memref<80x128xf32, #tpu.memory_space<vmem_shared>>)
    %dma_wait3A_178 = arith.constant 0 : i32
    %dma_wait3A_179 = arith.constant 0 : i32
    %dma_wait3A_180 = arith.constant 0 : i32
    %dma_wait3A_181 = tpu.memref_slice %arg6[%dma_wait3A_178, %dma_wait3A_179, %dma_wait3A_180] : memref<3x80x128xf32, #tpu.memory_space<vmem>> -> memref<1x80x128xf32, #tpu.memory_space<vmem>>
    %dma_wait3A_182 = tpu.memref_squeeze %dma_wait3A_181 : memref<1x80x128xf32, #tpu.memory_space<vmem>> -> memref<80x128xf32, #tpu.memory_space<vmem>>
    %dma_wait3A_183 = arith.constant 0 : i32
    %dma_wait3A_184 = tpu.memref_slice %arg7[%add3A_54, %dma_wait3A_183] : memref<10240x128xf32, #tpu.memory_space<vmem_shared>> -> memref<80x128xf32, #tpu.memory_space<vmem_shared>>
    %dma_wait3A_185 = arith.constant 0 : i32
    %dma_wait3A_186 = tpu.memref_slice %arg7[%add3A_54, %dma_wait3A_185] : memref<10240x128xf32, #tpu.memory_space<vmem_shared>> -> memref<80x128xf32, #tpu.memory_space<vmem_shared>>
    %dma_wait3A_187 = arith.constant 0 : i32
    %dma_wait3A_188 = arith.constant 0 : i32
    %dma_wait3A_189 = tpu.memref_slice %arg6[%dma_wait3A_178, %dma_wait3A_187, %dma_wait3A_188] : memref<3x80x128xf32, #tpu.memory_space<vmem>> -> memref<1x80x128xf32, #tpu.memory_space<vmem>>
    %dma_wait3A_190 = tpu.memref_squeeze %dma_wait3A_189 : memref<1x80x128xf32, #tpu.memory_space<vmem>> -> memref<80x128xf32, #tpu.memory_space<vmem>>
    tpu.wait_dma2 semaphore(%arg9 : memref<!tpu.dma_semaphore, #tpu.memory_space<semaphore_mem>>) src(%dma_wait3A_190 : memref<80x128xf32, #tpu.memory_space<vmem>>) dst(%dma_wait3A_186 : memref<80x128xf32, #tpu.memory_space<vmem_shared>>)
    %dma_wait3A_191 = arith.constant 0 : i32
    %dma_wait3A_192 = arith.constant 0 : i32
    %dma_wait3A_193 = arith.constant 0 : i32
    %dma_wait3A_194 = tpu.memref_slice %arg6[%dma_wait3A_191, %dma_wait3A_192, %dma_wait3A_193] : memref<3x80x128xf32, #tpu.memory_space<vmem>> -> memref<1x80x128xf32, #tpu.memory_space<vmem>>
    %dma_wait3A_195 = tpu.memref_squeeze %dma_wait3A_194 : memref<1x80x128xf32, #tpu.memory_space<vmem>> -> memref<80x128xf32, #tpu.memory_space<vmem>>
    %dma_wait3A_196 = arith.constant 0 : i32
    %dma_wait3A_197 = tpu.memref_slice %arg7[%add3A_71, %dma_wait3A_196] : memref<10240x128xf32, #tpu.memory_space<vmem_shared>> -> memref<80x128xf32, #tpu.memory_space<vmem_shared>>
    %dma_wait3A_198 = arith.constant 0 : i32
    %dma_wait3A_199 = tpu.memref_slice %arg7[%add3A_71, %dma_wait3A_198] : memref<10240x128xf32, #tpu.memory_space<vmem_shared>> -> memref<80x128xf32, #tpu.memory_space<vmem_shared>>
    %dma_wait3A_200 = arith.constant 0 : i32
    %dma_wait3A_201 = arith.constant 0 : i32
    %dma_wait3A_202 = tpu.memref_slice %arg6[%dma_wait3A_191, %dma_wait3A_200, %dma_wait3A_201] : memref<3x80x128xf32, #tpu.memory_space<vmem>> -> memref<1x80x128xf32, #tpu.memory_space<vmem>>
    %dma_wait3A_203 = tpu.memref_squeeze %dma_wait3A_202 : memref<1x80x128xf32, #tpu.memory_space<vmem>> -> memref<80x128xf32, #tpu.memory_space<vmem>>
    tpu.wait_dma2 semaphore(%arg9 : memref<!tpu.dma_semaphore, #tpu.memory_space<semaphore_mem>>) src(%dma_wait3A_203 : memref<80x128xf32, #tpu.memory_space<vmem>>) dst(%dma_wait3A_199 : memref<80x128xf32, #tpu.memory_space<vmem_shared>>)
    %dma_wait3A_204 = arith.constant 0 : i32
    %dma_wait3A_205 = arith.constant 0 : i32
    %dma_wait3A_206 = arith.constant 0 : i32
    %dma_wait3A_207 = tpu.memref_slice %arg6[%dma_wait3A_204, %dma_wait3A_205, %dma_wait3A_206] : memref<3x80x128xf32, #tpu.memory_space<vmem>> -> memref<1x80x128xf32, #tpu.memory_space<vmem>>
    %dma_wait3A_208 = tpu.memref_squeeze %dma_wait3A_207 : memref<1x80x128xf32, #tpu.memory_space<vmem>> -> memref<80x128xf32, #tpu.memory_space<vmem>>
    %dma_wait3A_209 = arith.constant 0 : i32
    %dma_wait3A_210 = tpu.memref_slice %arg7[%add3A_88, %dma_wait3A_209] : memref<10240x128xf32, #tpu.memory_space<vmem_shared>> -> memref<80x128xf32, #tpu.memory_space<vmem_shared>>
    %dma_wait3A_211 = arith.constant 0 : i32
    %dma_wait3A_212 = tpu.memref_slice %arg7[%add3A_88, %dma_wait3A_211] : memref<10240x128xf32, #tpu.memory_space<vmem_shared>> -> memref<80x128xf32, #tpu.memory_space<vmem_shared>>
    %dma_wait3A_213 = arith.constant 0 : i32
    %dma_wait3A_214 = arith.constant 0 : i32
    %dma_wait3A_215 = tpu.memref_slice %arg6[%dma_wait3A_204, %dma_wait3A_213, %dma_wait3A_214] : memref<3x80x128xf32, #tpu.memory_space<vmem>> -> memref<1x80x128xf32, #tpu.memory_space<vmem>>
    %dma_wait3A_216 = tpu.memref_squeeze %dma_wait3A_215 : memref<1x80x128xf32, #tpu.memory_space<vmem>> -> memref<80x128xf32, #tpu.memory_space<vmem>>
    tpu.wait_dma2 semaphore(%arg9 : memref<!tpu.dma_semaphore, #tpu.memory_space<semaphore_mem>>) src(%dma_wait3A_216 : memref<80x128xf32, #tpu.memory_space<vmem>>) dst(%dma_wait3A_212 : memref<80x128xf32, #tpu.memory_space<vmem_shared>>)
    %dma_wait3A_217 = arith.constant 0 : i32
    %dma_wait3A_218 = arith.constant 0 : i32
    %dma_wait3A_219 = arith.constant 0 : i32
    %dma_wait3A_220 = tpu.memref_slice %arg6[%dma_wait3A_217, %dma_wait3A_218, %dma_wait3A_219] : memref<3x80x128xf32, #tpu.memory_space<vmem>> -> memref<1x80x128xf32, #tpu.memory_space<vmem>>
    %dma_wait3A_221 = tpu.memref_squeeze %dma_wait3A_220 : memref<1x80x128xf32, #tpu.memory_space<vmem>> -> memref<80x128xf32, #tpu.memory_space<vmem>>
    %dma_wait3A_222 = arith.constant 0 : i32
    %dma_wait3A_223 = tpu.memref_slice %arg7[%add3A_105, %dma_wait3A_222] : memref<10240x128xf32, #tpu.memory_space<vmem_shared>> -> memref<80x128xf32, #tpu.memory_space<vmem_shared>>
    %dma_wait3A_224 = arith.constant 0 : i32
    %dma_wait3A_225 = tpu.memref_slice %arg7[%add3A_105, %dma_wait3A_224] : memref<10240x128xf32, #tpu.memory_space<vmem_shared>> -> memref<80x128xf32, #tpu.memory_space<vmem_shared>>
    %dma_wait3A_226 = arith.constant 0 : i32
    %dma_wait3A_227 = arith.constant 0 : i32
    %dma_wait3A_228 = tpu.memref_slice %arg6[%dma_wait3A_217, %dma_wait3A_226, %dma_wait3A_227] : memref<3x80x128xf32, #tpu.memory_space<vmem>> -> memref<1x80x128xf32, #tpu.memory_space<vmem>>
    %dma_wait3A_229 = tpu.memref_squeeze %dma_wait3A_228 : memref<1x80x128xf32, #tpu.memory_space<vmem>> -> memref<80x128xf32, #tpu.memory_space<vmem>>
    tpu.wait_dma2 semaphore(%arg9 : memref<!tpu.dma_semaphore, #tpu.memory_space<semaphore_mem>>) src(%dma_wait3A_229 : memref<80x128xf32, #tpu.memory_space<vmem>>) dst(%dma_wait3A_225 : memref<80x128xf32, #tpu.memory_space<vmem_shared>>)
    %dma_wait3A_230 = arith.constant 0 : i32
    %dma_wait3A_231 = arith.constant 0 : i32
    %dma_wait3A_232 = arith.constant 0 : i32
    %dma_wait3A_233 = tpu.memref_slice %arg6[%dma_wait3A_230, %dma_wait3A_231, %dma_wait3A_232] : memref<3x80x128xf32, #tpu.memory_space<vmem>> -> memref<1x80x128xf32, #tpu.memory_space<vmem>>
    %dma_wait3A_234 = tpu.memref_squeeze %dma_wait3A_233 : memref<1x80x128xf32, #tpu.memory_space<vmem>> -> memref<80x128xf32, #tpu.memory_space<vmem>>
    %dma_wait3A_235 = arith.constant 0 : i32
    %dma_wait3A_236 = tpu.memref_slice %arg7[%add3A_122, %dma_wait3A_235] : memref<10240x128xf32, #tpu.memory_space<vmem_shared>> -> memref<80x128xf32, #tpu.memory_space<vmem_shared>>
    %dma_wait3A_237 = arith.constant 0 : i32
    %dma_wait3A_238 = tpu.memref_slice %arg7[%add3A_122, %dma_wait3A_237] : memref<10240x128xf32, #tpu.memory_space<vmem_shared>> -> memref<80x128xf32, #tpu.memory_space<vmem_shared>>
    %dma_wait3A_239 = arith.constant 0 : i32
    %dma_wait3A_240 = arith.constant 0 : i32
    %dma_wait3A_241 = tpu.memref_slice %arg6[%dma_wait3A_230, %dma_wait3A_239, %dma_wait3A_240] : memref<3x80x128xf32, #tpu.memory_space<vmem>> -> memref<1x80x128xf32, #tpu.memory_space<vmem>>
    %dma_wait3A_242 = tpu.memref_squeeze %dma_wait3A_241 : memref<1x80x128xf32, #tpu.memory_space<vmem>> -> memref<80x128xf32, #tpu.memory_space<vmem>>
    tpu.wait_dma2 semaphore(%arg9 : memref<!tpu.dma_semaphore, #tpu.memory_space<semaphore_mem>>) src(%dma_wait3A_242 : memref<80x128xf32, #tpu.memory_space<vmem>>) dst(%dma_wait3A_238 : memref<80x128xf32, #tpu.memory_space<vmem_shared>>)
    %dma_wait3A_243 = arith.constant 0 : i32
    %dma_wait3A_244 = arith.constant 0 : i32
    %dma_wait3A_245 = arith.constant 0 : i32
    %dma_wait3A_246 = tpu.memref_slice %arg6[%dma_wait3A_243, %dma_wait3A_244, %dma_wait3A_245] : memref<3x80x128xf32, #tpu.memory_space<vmem>> -> memref<1x80x128xf32, #tpu.memory_space<vmem>>
    %dma_wait3A_247 = tpu.memref_squeeze %dma_wait3A_246 : memref<1x80x128xf32, #tpu.memory_space<vmem>> -> memref<80x128xf32, #tpu.memory_space<vmem>>
    %dma_wait3A_248 = arith.constant 0 : i32
    %dma_wait3A_249 = tpu.memref_slice %arg7[%add3A_139, %dma_wait3A_248] : memref<10240x128xf32, #tpu.memory_space<vmem_shared>> -> memref<80x128xf32, #tpu.memory_space<vmem_shared>>
    %dma_wait3A_250 = arith.constant 0 : i32
    %dma_wait3A_251 = tpu.memref_slice %arg7[%add3A_139, %dma_wait3A_250] : memref<10240x128xf32, #tpu.memory_space<vmem_shared>> -> memref<80x128xf32, #tpu.memory_space<vmem_shared>>
    %dma_wait3A_252 = arith.constant 0 : i32
    %dma_wait3A_253 = arith.constant 0 : i32
    %dma_wait3A_254 = tpu.memref_slice %arg6[%dma_wait3A_243, %dma_wait3A_252, %dma_wait3A_253] : memref<3x80x128xf32, #tpu.memory_space<vmem>> -> memref<1x80x128xf32, #tpu.memory_space<vmem>>
    %dma_wait3A_255 = tpu.memref_squeeze %dma_wait3A_254 : memref<1x80x128xf32, #tpu.memory_space<vmem>> -> memref<80x128xf32, #tpu.memory_space<vmem>>
    tpu.wait_dma2 semaphore(%arg9 : memref<!tpu.dma_semaphore, #tpu.memory_space<semaphore_mem>>) src(%dma_wait3A_255 : memref<80x128xf32, #tpu.memory_space<vmem>>) dst(%dma_wait3A_251 : memref<80x128xf32, #tpu.memory_space<vmem_shared>>)
    %barrier3A = arith.constant 0 : index
    tpu.barrier barrier_id(%barrier3A)
    %add3A_256 = arith.constant 0 : i32
    %add3A_257 = arith.addi %mul3A_2, %add3A_256 : i32
    %dma_start3A_258 = arith.constant 0 : i32
    %dma_start3A_259 = arith.constant 0 : i32
    %dma_start3A_260 = arith.constant 0 : i32
    %dma_start3A_261 = tpu.memref_slice %arg6[%dma_start3A_258, %dma_start3A_259, %dma_start3A_260] : memref<3x80x128xf32, #tpu.memory_space<vmem>> -> memref<1x80x128xf32, #tpu.memory_space<vmem>>
    %dma_start3A_262 = tpu.memref_squeeze %dma_start3A_261 : memref<1x80x128xf32, #tpu.memory_space<vmem>> -> memref<80x128xf32, #tpu.memory_space<vmem>>
    %dma_start3A_263 = arith.constant 0 : i32
    %dma_start3A_264 = tpu.memref_slice %arg2[%add3A_257, %dma_start3A_263] : memref<320000x128xf32, #tpu.memory_space<hbm>> -> memref<80x128xf32, #tpu.memory_space<hbm>>
    %dma_start3A_265 = arith.constant 0 : i32
    %dma_start3A_266 = arith.constant 0 : i32
    %dma_start3A_267 = tpu.memref_slice %arg6[%dma_start3A_258, %dma_start3A_265, %dma_start3A_266] : memref<3x80x128xf32, #tpu.memory_space<vmem>> -> memref<1x80x128xf32, #tpu.memory_space<vmem>>
    %dma_start3A_268 = tpu.memref_squeeze %dma_start3A_267 : memref<1x80x128xf32, #tpu.memory_space<vmem>> -> memref<80x128xf32, #tpu.memory_space<vmem>>
    %dma_start3A_269 = arith.constant 0 : i32
    %dma_start3A_270 = tpu.memref_slice %arg2[%add3A_257, %dma_start3A_269] : memref<320000x128xf32, #tpu.memory_space<hbm>> -> memref<80x128xf32, #tpu.memory_space<hbm>>
    tpu.enqueue_dma source(%dma_start3A_270 : memref<80x128xf32, #tpu.memory_space<hbm>>) target(%dma_start3A_268 : memref<80x128xf32, #tpu.memory_space<vmem>>) target_semaphore(%arg10 : memref<!tpu.dma_semaphore, #tpu.memory_space<semaphore_mem>>)
    %add3A_271 = arith.constant 80 : i32
    %add3A_272 = arith.addi %mul3A_2, %add3A_271 : i32
    %dma_start3A_273 = arith.constant 1 : i32
    %dma_start3A_274 = arith.constant 0 : i32
    %dma_start3A_275 = arith.constant 0 : i32
    %dma_start3A_276 = tpu.memref_slice %arg6[%dma_start3A_273, %dma_start3A_274, %dma_start3A_275] : memref<3x80x128xf32, #tpu.memory_space<vmem>> -> memref<1x80x128xf32, #tpu.memory_space<vmem>>
    %dma_start3A_277 = tpu.memref_squeeze %dma_start3A_276 : memref<1x80x128xf32, #tpu.memory_space<vmem>> -> memref<80x128xf32, #tpu.memory_space<vmem>>
    %dma_start3A_278 = arith.constant 0 : i32
    %dma_start3A_279 = tpu.memref_slice %arg2[%add3A_272, %dma_start3A_278] : memref<320000x128xf32, #tpu.memory_space<hbm>> -> memref<80x128xf32, #tpu.memory_space<hbm>>
    %dma_start3A_280 = arith.constant 0 : i32
    %dma_start3A_281 = arith.constant 0 : i32
    %dma_start3A_282 = tpu.memref_slice %arg6[%dma_start3A_273, %dma_start3A_280, %dma_start3A_281] : memref<3x80x128xf32, #tpu.memory_space<vmem>> -> memref<1x80x128xf32, #tpu.memory_space<vmem>>
    %dma_start3A_283 = tpu.memref_squeeze %dma_start3A_282 : memref<1x80x128xf32, #tpu.memory_space<vmem>> -> memref<80x128xf32, #tpu.memory_space<vmem>>
    %dma_start3A_284 = arith.constant 0 : i32
    %dma_start3A_285 = tpu.memref_slice %arg2[%add3A_272, %dma_start3A_284] : memref<320000x128xf32, #tpu.memory_space<hbm>> -> memref<80x128xf32, #tpu.memory_space<hbm>>
    tpu.enqueue_dma source(%dma_start3A_285 : memref<80x128xf32, #tpu.memory_space<hbm>>) target(%dma_start3A_283 : memref<80x128xf32, #tpu.memory_space<vmem>>) target_semaphore(%arg11 : memref<!tpu.dma_semaphore, #tpu.memory_space<semaphore_mem>>)
    %add3A_286 = arith.constant 160 : i32
    %add3A_287 = arith.addi %mul3A_2, %add3A_286 : i32
    %dma_start3A_288 = arith.constant 2 : i32
    %dma_start3A_289 = arith.constant 0 : i32
    %dma_start3A_290 = arith.constant 0 : i32
    %dma_start3A_291 = tpu.memref_slice %arg6[%dma_start3A_288, %dma_start3A_289, %dma_start3A_290] : memref<3x80x128xf32, #tpu.memory_space<vmem>> -> memref<1x80x128xf32, #tpu.memory_space<vmem>>
    %dma_start3A_292 = tpu.memref_squeeze %dma_start3A_291 : memref<1x80x128xf32, #tpu.memory_space<vmem>> -> memref<80x128xf32, #tpu.memory_space<vmem>>
    %dma_start3A_293 = arith.constant 0 : i32
    %dma_start3A_294 = tpu.memref_slice %arg2[%add3A_287, %dma_start3A_293] : memref<320000x128xf32, #tpu.memory_space<hbm>> -> memref<80x128xf32, #tpu.memory_space<hbm>>
    %dma_start3A_295 = arith.constant 0 : i32
    %dma_start3A_296 = arith.constant 0 : i32
    %dma_start3A_297 = tpu.memref_slice %arg6[%dma_start3A_288, %dma_start3A_295, %dma_start3A_296] : memref<3x80x128xf32, #tpu.memory_space<vmem>> -> memref<1x80x128xf32, #tpu.memory_space<vmem>>
    %dma_start3A_298 = tpu.memref_squeeze %dma_start3A_297 : memref<1x80x128xf32, #tpu.memory_space<vmem>> -> memref<80x128xf32, #tpu.memory_space<vmem>>
    %dma_start3A_299 = arith.constant 0 : i32
    %dma_start3A_300 = tpu.memref_slice %arg2[%add3A_287, %dma_start3A_299] : memref<320000x128xf32, #tpu.memory_space<hbm>> -> memref<80x128xf32, #tpu.memory_space<hbm>>
    tpu.enqueue_dma source(%dma_start3A_300 : memref<80x128xf32, #tpu.memory_space<hbm>>) target(%dma_start3A_298 : memref<80x128xf32, #tpu.memory_space<vmem>>) target_semaphore(%arg12 : memref<!tpu.dma_semaphore, #tpu.memory_space<semaphore_mem>>)
    %dma_wait3A_301 = arith.constant 0 : i32
    %dma_wait3A_302 = arith.constant 0 : i32
    %dma_wait3A_303 = tpu.memref_slice %arg3[%add3A, %dma_wait3A_301, %dma_wait3A_302] : memref<32x125x80xi32, #tpu.memory_space<hbm>> -> memref<1x125x80xi32, #tpu.memory_space<hbm>>
    %dma_wait3A_304 = tpu.memref_squeeze %dma_wait3A_303 : memref<1x125x80xi32, #tpu.memory_space<hbm>> -> memref<125x80xi32, #tpu.memory_space<hbm>>
    %dma_wait3A_305 = arith.constant 0 : i32
    %dma_wait3A_306 = arith.constant 0 : i32
    %dma_wait3A_307 = tpu.memref_slice %arg3[%add3A, %dma_wait3A_305, %dma_wait3A_306] : memref<32x125x80xi32, #tpu.memory_space<hbm>> -> memref<1x125x80xi32, #tpu.memory_space<hbm>>
    %dma_wait3A_308 = tpu.memref_squeeze %dma_wait3A_307 : memref<1x125x80xi32, #tpu.memory_space<hbm>> -> memref<125x80xi32, #tpu.memory_space<hbm>>
    tpu.wait_dma2 semaphore(%arg8 : memref<!tpu.dma_semaphore, #tpu.memory_space<semaphore_mem>>) src(%dma_wait3A_308 : memref<125x80xi32, #tpu.memory_space<hbm>>) dst(%arg5 : memref<125x80xi32, #tpu.memory_space<vmem>>)
    %scan3A_309 = arith.constant 0 : i32
    %scan3A_310 = arith.constant 0 : i32
    %scan3A_311 = arith.constant 40 : i32
    %scan3A_312 = arith.addi %scan3A_310, %scan3A_311 : i32
    %scan3A_313 = arith.constant 1 : i32
    %scan3A_314 = scf.for %scan3A_435 = %scan3A_310 to %scan3A_312 step %scan3A_313 iter_args(%scan3A_436 = %scan3A_309) -> (i32)  : i32 {
      %mul3A_437 = arith.constant 3 : i32
      %mul3A_438 = arith.muli %scan3A_435, %mul3A_437 : i32
      %add3A_439 = arith.constant 0 : i32
      %add3A_440 = arith.addi %mul3A_438, %add3A_439 : i32
      %mul3A_441 = arith.constant 80 : i32
      %mul3A_442 = arith.muli %add3A_440, %mul3A_441 : i32
      %add3A_443 = arith.addi %mul3A_2, %mul3A_442 : i32
      %dma_wait3A_444 = arith.constant 0 : i32
      %dma_wait3A_445 = arith.constant 0 : i32
      %dma_wait3A_446 = arith.constant 0 : i32
      %dma_wait3A_447 = tpu.memref_slice %arg6[%dma_wait3A_444, %dma_wait3A_445, %dma_wait3A_446] : memref<3x80x128xf32, #tpu.memory_space<vmem>> -> memref<1x80x128xf32, #tpu.memory_space<vmem>>
      %dma_wait3A_448 = tpu.memref_squeeze %dma_wait3A_447 : memref<1x80x128xf32, #tpu.memory_space<vmem>> -> memref<80x128xf32, #tpu.memory_space<vmem>>
      %dma_wait3A_449 = arith.constant 0 : i32
      %dma_wait3A_450 = tpu.memref_slice %arg2[%add3A_443, %dma_wait3A_449] : memref<320000x128xf32, #tpu.memory_space<hbm>> -> memref<80x128xf32, #tpu.memory_space<hbm>>
      %dma_wait3A_451 = arith.constant 0 : i32
      %dma_wait3A_452 = arith.constant 0 : i32
      %dma_wait3A_453 = tpu.memref_slice %arg6[%dma_wait3A_444, %dma_wait3A_451, %dma_wait3A_452] : memref<3x80x128xf32, #tpu.memory_space<vmem>> -> memref<1x80x128xf32, #tpu.memory_space<vmem>>
      %dma_wait3A_454 = tpu.memref_squeeze %dma_wait3A_453 : memref<1x80x128xf32, #tpu.memory_space<vmem>> -> memref<80x128xf32, #tpu.memory_space<vmem>>
      %dma_wait3A_455 = arith.constant 0 : i32
      %dma_wait3A_456 = tpu.memref_slice %arg2[%add3A_443, %dma_wait3A_455] : memref<320000x128xf32, #tpu.memory_space<hbm>> -> memref<80x128xf32, #tpu.memory_space<hbm>>
      tpu.wait_dma2 semaphore(%arg10 : memref<!tpu.dma_semaphore, #tpu.memory_space<semaphore_mem>>) src(%dma_wait3A_456 : memref<80x128xf32, #tpu.memory_space<hbm>>) dst(%dma_wait3A_454 : memref<80x128xf32, #tpu.memory_space<vmem>>)
      %run_scoped3A_457 = arith.constant 0 : i32
      "tpu.region"() ({
        %run_scoped3A_555 = tpu.sem_alloc : memref<!tpu.dma_semaphore, #tpu.memory_space<semaphore_mem>>
        %dma_start3A_556 = arith.constant 0 : i32
        %dma_start3A_557 = arith.constant 0 : i32
        %dma_start3A_558 = tpu.memref_slice %arg6[%run_scoped3A_457, %dma_start3A_556, %dma_start3A_557] : memref<3x80x128xf32, #tpu.memory_space<vmem>> -> memref<1x80x128xf32, #tpu.memory_space<vmem>>
        %dma_start3A_559 = tpu.memref_squeeze %dma_start3A_558 : memref<1x80x128xf32, #tpu.memory_space<vmem>> -> memref<80x128xf32, #tpu.memory_space<vmem>>
        %dma_start3A_560 = arith.constant 0 : i32
        %dma_start3A_561 = tpu.memref_slice %arg5[%add3A_440, %dma_start3A_560] : memref<125x80xi32, #tpu.memory_space<vmem>> -> memref<1x80xi32, #tpu.memory_space<vmem>>
        %dma_start3A_562 = tpu.memref_squeeze %dma_start3A_561 : memref<1x80xi32, #tpu.memory_space<vmem>> -> memref<80xi32, #tpu.memory_space<vmem>>
        %dma_start3A_563 = arith.constant 0 : i32
        %dma_start3A_564 = arith.constant 0 : i32
        %dma_start3A_565 = tpu.memref_slice %arg7[%dma_start3A_563, %dma_start3A_564] : memref<10240x128xf32, #tpu.memory_space<vmem_shared>> -> memref<10240x128xf32, #tpu.memory_space<vmem_shared>>
        tpu.enqueue_indirect_dma source(%dma_start3A_559 : memref<80x128xf32, #tpu.memory_space<vmem>>) target(%dma_start3A_565 : memref<10240x128xf32, #tpu.memory_space<vmem_shared>>) offsets(%dma_start3A_562 : memref<80xi32, #tpu.memory_space<vmem>>) semaphore(%run_scoped3A_555 : memref<!tpu.dma_semaphore, #tpu.memory_space<semaphore_mem>>) {add = true}
        %dma_wait3A_566 = arith.constant 0 : i32
        %dma_wait3A_567 = arith.constant 0 : i32
        %dma_wait3A_568 = tpu.memref_slice %arg6[%run_scoped3A_457, %dma_wait3A_566, %dma_wait3A_567] : memref<3x80x128xf32, #tpu.memory_space<vmem>> -> memref<1x80x128xf32, #tpu.memory_space<vmem>>
        %dma_wait3A_569 = tpu.memref_squeeze %dma_wait3A_568 : memref<1x80x128xf32, #tpu.memory_space<vmem>> -> memref<80x128xf32, #tpu.memory_space<vmem>>
        %dma_wait3A_570 = arith.constant 0 : i32
        %dma_wait3A_571 = tpu.memref_slice %arg5[%add3A_440, %dma_wait3A_570] : memref<125x80xi32, #tpu.memory_space<vmem>> -> memref<1x80xi32, #tpu.memory_space<vmem>>
        %dma_wait3A_572 = tpu.memref_squeeze %dma_wait3A_571 : memref<1x80xi32, #tpu.memory_space<vmem>> -> memref<80xi32, #tpu.memory_space<vmem>>
        %dma_wait3A_573 = arith.constant 0 : i32
        %dma_wait3A_574 = arith.constant 0 : i32
        %dma_wait3A_575 = tpu.memref_slice %arg7[%dma_wait3A_573, %dma_wait3A_574] : memref<10240x128xf32, #tpu.memory_space<vmem_shared>> -> memref<10240x128xf32, #tpu.memory_space<vmem_shared>>
        tpu.wait_indirect_dma semaphore(%run_scoped3A_555 : memref<!tpu.dma_semaphore, #tpu.memory_space<semaphore_mem>>) src(%dma_wait3A_569 : memref<80x128xf32, #tpu.memory_space<vmem>>) dst(%dma_wait3A_575 : memref<10240x128xf32, #tpu.memory_space<vmem_shared>>)
        tpu.yield
      }) : () -> ()
      %add3A_458 = arith.constant 3 : i32
      %add3A_459 = arith.addi %add3A_440, %add3A_458 : i32
      %mul3A_460 = arith.constant 80 : i32
      %mul3A_461 = arith.muli %add3A_459, %mul3A_460 : i32
      %add3A_462 = arith.addi %mul3A_2, %mul3A_461 : i32
      %dma_start3A_463 = arith.constant 0 : i32
      %dma_start3A_464 = arith.constant 0 : i32
      %dma_start3A_465 = arith.constant 0 : i32
      %dma_start3A_466 = tpu.memref_slice %arg6[%dma_start3A_463, %dma_start3A_464, %dma_start3A_465] : memref<3x80x128xf32, #tpu.memory_space<vmem>> -> memref<1x80x128xf32, #tpu.memory_space<vmem>>
      %dma_start3A_467 = tpu.memref_squeeze %dma_start3A_466 : memref<1x80x128xf32, #tpu.memory_space<vmem>> -> memref<80x128xf32, #tpu.memory_space<vmem>>
      %dma_start3A_468 = arith.constant 0 : i32
      %dma_start3A_469 = tpu.memref_slice %arg2[%add3A_462, %dma_start3A_468] : memref<320000x128xf32, #tpu.memory_space<hbm>> -> memref<80x128xf32, #tpu.memory_space<hbm>>
      %dma_start3A_470 = arith.constant 0 : i32
      %dma_start3A_471 = arith.constant 0 : i32
      %dma_start3A_472 = tpu.memref_slice %arg6[%dma_start3A_463, %dma_start3A_470, %dma_start3A_471] : memref<3x80x128xf32, #tpu.memory_space<vmem>> -> memref<1x80x128xf32, #tpu.memory_space<vmem>>
      %dma_start3A_473 = tpu.memref_squeeze %dma_start3A_472 : memref<1x80x128xf32, #tpu.memory_space<vmem>> -> memref<80x128xf32, #tpu.memory_space<vmem>>
      %dma_start3A_474 = arith.constant 0 : i32
      %dma_start3A_475 = tpu.memref_slice %arg2[%add3A_462, %dma_start3A_474] : memref<320000x128xf32, #tpu.memory_space<hbm>> -> memref<80x128xf32, #tpu.memory_space<hbm>>
      tpu.enqueue_dma source(%dma_start3A_475 : memref<80x128xf32, #tpu.memory_space<hbm>>) target(%dma_start3A_473 : memref<80x128xf32, #tpu.memory_space<vmem>>) target_semaphore(%arg10 : memref<!tpu.dma_semaphore, #tpu.memory_space<semaphore_mem>>)
      %mul3A_476 = arith.constant 3 : i32
      %mul3A_477 = arith.muli %scan3A_435, %mul3A_476 : i32
      %add3A_478 = arith.constant 1 : i32
      %add3A_479 = arith.addi %mul3A_477, %add3A_478 : i32
      %mul3A_480 = arith.constant 80 : i32
      %mul3A_481 = arith.muli %add3A_479, %mul3A_480 : i32
      %add3A_482 = arith.addi %mul3A_2, %mul3A_481 : i32
      %dma_wait3A_483 = arith.constant 1 : i32
      %dma_wait3A_484 = arith.constant 0 : i32
      %dma_wait3A_485 = arith.constant 0 : i32
      %dma_wait3A_486 = tpu.memref_slice %arg6[%dma_wait3A_483, %dma_wait3A_484, %dma_wait3A_485] : memref<3x80x128xf32, #tpu.memory_space<vmem>> -> memref<1x80x128xf32, #tpu.memory_space<vmem>>
      %dma_wait3A_487 = tpu.memref_squeeze %dma_wait3A_486 : memref<1x80x128xf32, #tpu.memory_space<vmem>> -> memref<80x128xf32, #tpu.memory_space<vmem>>
      %dma_wait3A_488 = arith.constant 0 : i32
      %dma_wait3A_489 = tpu.memref_slice %arg2[%add3A_482, %dma_wait3A_488] : memref<320000x128xf32, #tpu.memory_space<hbm>> -> memref<80x128xf32, #tpu.memory_space<hbm>>
      %dma_wait3A_490 = arith.constant 0 : i32
      %dma_wait3A_491 = arith.constant 0 : i32
      %dma_wait3A_492 = tpu.memref_slice %arg6[%dma_wait3A_483, %dma_wait3A_490, %dma_wait3A_491] : memref<3x80x128xf32, #tpu.memory_space<vmem>> -> memref<1x80x128xf32, #tpu.memory_space<vmem>>
      %dma_wait3A_493 = tpu.memref_squeeze %dma_wait3A_492 : memref<1x80x128xf32, #tpu.memory_space<vmem>> -> memref<80x128xf32, #tpu.memory_space<vmem>>
      %dma_wait3A_494 = arith.constant 0 : i32
      %dma_wait3A_495 = tpu.memref_slice %arg2[%add3A_482, %dma_wait3A_494] : memref<320000x128xf32, #tpu.memory_space<hbm>> -> memref<80x128xf32, #tpu.memory_space<hbm>>
      tpu.wait_dma2 semaphore(%arg11 : memref<!tpu.dma_semaphore, #tpu.memory_space<semaphore_mem>>) src(%dma_wait3A_495 : memref<80x128xf32, #tpu.memory_space<hbm>>) dst(%dma_wait3A_493 : memref<80x128xf32, #tpu.memory_space<vmem>>)
      %run_scoped3A_496 = arith.constant 1 : i32
      "tpu.region"() ({
        %run_scoped3A_555 = tpu.sem_alloc : memref<!tpu.dma_semaphore, #tpu.memory_space<semaphore_mem>>
        %dma_start3A_556 = arith.constant 0 : i32
        %dma_start3A_557 = arith.constant 0 : i32
        %dma_start3A_558 = tpu.memref_slice %arg6[%run_scoped3A_496, %dma_start3A_556, %dma_start3A_557] : memref<3x80x128xf32, #tpu.memory_space<vmem>> -> memref<1x80x128xf32, #tpu.memory_space<vmem>>
        %dma_start3A_559 = tpu.memref_squeeze %dma_start3A_558 : memref<1x80x128xf32, #tpu.memory_space<vmem>> -> memref<80x128xf32, #tpu.memory_space<vmem>>
        %dma_start3A_560 = arith.constant 0 : i32
        %dma_start3A_561 = tpu.memref_slice %arg5[%add3A_479, %dma_start3A_560] : memref<125x80xi32, #tpu.memory_space<vmem>> -> memref<1x80xi32, #tpu.memory_space<vmem>>
        %dma_start3A_562 = tpu.memref_squeeze %dma_start3A_561 : memref<1x80xi32, #tpu.memory_space<vmem>> -> memref<80xi32, #tpu.memory_space<vmem>>
        %dma_start3A_563 = arith.constant 0 : i32
        %dma_start3A_564 = arith.constant 0 : i32
        %dma_start3A_565 = tpu.memref_slice %arg7[%dma_start3A_563, %dma_start3A_564] : memref<10240x128xf32, #tpu.memory_space<vmem_shared>> -> memref<10240x128xf32, #tpu.memory_space<vmem_shared>>
        tpu.enqueue_indirect_dma source(%dma_start3A_559 : memref<80x128xf32, #tpu.memory_space<vmem>>) target(%dma_start3A_565 : memref<10240x128xf32, #tpu.memory_space<vmem_shared>>) offsets(%dma_start3A_562 : memref<80xi32, #tpu.memory_space<vmem>>) semaphore(%run_scoped3A_555 : memref<!tpu.dma_semaphore, #tpu.memory_space<semaphore_mem>>) {add = true}
        %dma_wait3A_566 = arith.constant 0 : i32
        %dma_wait3A_567 = arith.constant 0 : i32
        %dma_wait3A_568 = tpu.memref_slice %arg6[%run_scoped3A_496, %dma_wait3A_566, %dma_wait3A_567] : memref<3x80x128xf32, #tpu.memory_space<vmem>> -> memref<1x80x128xf32, #tpu.memory_space<vmem>>
        %dma_wait3A_569 = tpu.memref_squeeze %dma_wait3A_568 : memref<1x80x128xf32, #tpu.memory_space<vmem>> -> memref<80x128xf32, #tpu.memory_space<vmem>>
        %dma_wait3A_570 = arith.constant 0 : i32
        %dma_wait3A_571 = tpu.memref_slice %arg5[%add3A_479, %dma_wait3A_570] : memref<125x80xi32, #tpu.memory_space<vmem>> -> memref<1x80xi32, #tpu.memory_space<vmem>>
        %dma_wait3A_572 = tpu.memref_squeeze %dma_wait3A_571 : memref<1x80xi32, #tpu.memory_space<vmem>> -> memref<80xi32, #tpu.memory_space<vmem>>
        %dma_wait3A_573 = arith.constant 0 : i32
        %dma_wait3A_574 = arith.constant 0 : i32
        %dma_wait3A_575 = tpu.memref_slice %arg7[%dma_wait3A_573, %dma_wait3A_574] : memref<10240x128xf32, #tpu.memory_space<vmem_shared>> -> memref<10240x128xf32, #tpu.memory_space<vmem_shared>>
        tpu.wait_indirect_dma semaphore(%run_scoped3A_555 : memref<!tpu.dma_semaphore, #tpu.memory_space<semaphore_mem>>) src(%dma_wait3A_569 : memref<80x128xf32, #tpu.memory_space<vmem>>) dst(%dma_wait3A_575 : memref<10240x128xf32, #tpu.memory_space<vmem_shared>>)
        tpu.yield
      }) : () -> ()
      %add3A_497 = arith.constant 3 : i32
      %add3A_498 = arith.addi %add3A_479, %add3A_497 : i32
      %mul3A_499 = arith.constant 80 : i32
      %mul3A_500 = arith.muli %add3A_498, %mul3A_499 : i32
      %add3A_501 = arith.addi %mul3A_2, %mul3A_500 : i32
      %dma_start3A_502 = arith.constant 1 : i32
      %dma_start3A_503 = arith.constant 0 : i32
      %dma_start3A_504 = arith.constant 0 : i32
      %dma_start3A_505 = tpu.memref_slice %arg6[%dma_start3A_502, %dma_start3A_503, %dma_start3A_504] : memref<3x80x128xf32, #tpu.memory_space<vmem>> -> memref<1x80x128xf32, #tpu.memory_space<vmem>>
      %dma_start3A_506 = tpu.memref_squeeze %dma_start3A_505 : memref<1x80x128xf32, #tpu.memory_space<vmem>> -> memref<80x128xf32, #tpu.memory_space<vmem>>
      %dma_start3A_507 = arith.constant 0 : i32
      %dma_start3A_508 = tpu.memref_slice %arg2[%add3A_501, %dma_start3A_507] : memref<320000x128xf32, #tpu.memory_space<hbm>> -> memref<80x128xf32, #tpu.memory_space<hbm>>
      %dma_start3A_509 = arith.constant 0 : i32
      %dma_start3A_510 = arith.constant 0 : i32
      %dma_start3A_511 = tpu.memref_slice %arg6[%dma_start3A_502, %dma_start3A_509, %dma_start3A_510] : memref<3x80x128xf32, #tpu.memory_space<vmem>> -> memref<1x80x128xf32, #tpu.memory_space<vmem>>
      %dma_start3A_512 = tpu.memref_squeeze %dma_start3A_511 : memref<1x80x128xf32, #tpu.memory_space<vmem>> -> memref<80x128xf32, #tpu.memory_space<vmem>>
      %dma_start3A_513 = arith.constant 0 : i32
      %dma_start3A_514 = tpu.memref_slice %arg2[%add3A_501, %dma_start3A_513] : memref<320000x128xf32, #tpu.memory_space<hbm>> -> memref<80x128xf32, #tpu.memory_space<hbm>>
      tpu.enqueue_dma source(%dma_start3A_514 : memref<80x128xf32, #tpu.memory_space<hbm>>) target(%dma_start3A_512 : memref<80x128xf32, #tpu.memory_space<vmem>>) target_semaphore(%arg11 : memref<!tpu.dma_semaphore, #tpu.memory_space<semaphore_mem>>)
      %mul3A_515 = arith.constant 3 : i32
      %mul3A_516 = arith.muli %scan3A_435, %mul3A_515 : i32
      %add3A_517 = arith.constant 2 : i32
      %add3A_518 = arith.addi %mul3A_516, %add3A_517 : i32
      %mul3A_519 = arith.constant 80 : i32
      %mul3A_520 = arith.muli %add3A_518, %mul3A_519 : i32
      %add3A_521 = arith.addi %mul3A_2, %mul3A_520 : i32
      %dma_wait3A_522 = arith.constant 2 : i32
      %dma_wait3A_523 = arith.constant 0 : i32
      %dma_wait3A_524 = arith.constant 0 : i32
      %dma_wait3A_525 = tpu.memref_slice %arg6[%dma_wait3A_522, %dma_wait3A_523, %dma_wait3A_524] : memref<3x80x128xf32, #tpu.memory_space<vmem>> -> memref<1x80x128xf32, #tpu.memory_space<vmem>>
      %dma_wait3A_526 = tpu.memref_squeeze %dma_wait3A_525 : memref<1x80x128xf32, #tpu.memory_space<vmem>> -> memref<80x128xf32, #tpu.memory_space<vmem>>
      %dma_wait3A_527 = arith.constant 0 : i32
      %dma_wait3A_528 = tpu.memref_slice %arg2[%add3A_521, %dma_wait3A_527] : memref<320000x128xf32, #tpu.memory_space<hbm>> -> memref<80x128xf32, #tpu.memory_space<hbm>>
      %dma_wait3A_529 = arith.constant 0 : i32
      %dma_wait3A_530 = arith.constant 0 : i32
      %dma_wait3A_531 = tpu.memref_slice %arg6[%dma_wait3A_522, %dma_wait3A_529, %dma_wait3A_530] : memref<3x80x128xf32, #tpu.memory_space<vmem>> -> memref<1x80x128xf32, #tpu.memory_space<vmem>>
      %dma_wait3A_532 = tpu.memref_squeeze %dma_wait3A_531 : memref<1x80x128xf32, #tpu.memory_space<vmem>> -> memref<80x128xf32, #tpu.memory_space<vmem>>
      %dma_wait3A_533 = arith.constant 0 : i32
      %dma_wait3A_534 = tpu.memref_slice %arg2[%add3A_521, %dma_wait3A_533] : memref<320000x128xf32, #tpu.memory_space<hbm>> -> memref<80x128xf32, #tpu.memory_space<hbm>>
      tpu.wait_dma2 semaphore(%arg12 : memref<!tpu.dma_semaphore, #tpu.memory_space<semaphore_mem>>) src(%dma_wait3A_534 : memref<80x128xf32, #tpu.memory_space<hbm>>) dst(%dma_wait3A_532 : memref<80x128xf32, #tpu.memory_space<vmem>>)
      %run_scoped3A_535 = arith.constant 2 : i32
      "tpu.region"() ({
        %run_scoped3A_555 = tpu.sem_alloc : memref<!tpu.dma_semaphore, #tpu.memory_space<semaphore_mem>>
        %dma_start3A_556 = arith.constant 0 : i32
        %dma_start3A_557 = arith.constant 0 : i32
        %dma_start3A_558 = tpu.memref_slice %arg6[%run_scoped3A_535, %dma_start3A_556, %dma_start3A_557] : memref<3x80x128xf32, #tpu.memory_space<vmem>> -> memref<1x80x128xf32, #tpu.memory_space<vmem>>
        %dma_start3A_559 = tpu.memref_squeeze %dma_start3A_558 : memref<1x80x128xf32, #tpu.memory_space<vmem>> -> memref<80x128xf32, #tpu.memory_space<vmem>>
        %dma_start3A_560 = arith.constant 0 : i32
        %dma_start3A_561 = tpu.memref_slice %arg5[%add3A_518, %dma_start3A_560] : memref<125x80xi32, #tpu.memory_space<vmem>> -> memref<1x80xi32, #tpu.memory_space<vmem>>
        %dma_start3A_562 = tpu.memref_squeeze %dma_start3A_561 : memref<1x80xi32, #tpu.memory_space<vmem>> -> memref<80xi32, #tpu.memory_space<vmem>>
        %dma_start3A_563 = arith.constant 0 : i32
        %dma_start3A_564 = arith.constant 0 : i32
        %dma_start3A_565 = tpu.memref_slice %arg7[%dma_start3A_563, %dma_start3A_564] : memref<10240x128xf32, #tpu.memory_space<vmem_shared>> -> memref<10240x128xf32, #tpu.memory_space<vmem_shared>>
        tpu.enqueue_indirect_dma source(%dma_start3A_559 : memref<80x128xf32, #tpu.memory_space<vmem>>) target(%dma_start3A_565 : memref<10240x128xf32, #tpu.memory_space<vmem_shared>>) offsets(%dma_start3A_562 : memref<80xi32, #tpu.memory_space<vmem>>) semaphore(%run_scoped3A_555 : memref<!tpu.dma_semaphore, #tpu.memory_space<semaphore_mem>>) {add = true}
        %dma_wait3A_566 = arith.constant 0 : i32
        %dma_wait3A_567 = arith.constant 0 : i32
        %dma_wait3A_568 = tpu.memref_slice %arg6[%run_scoped3A_535, %dma_wait3A_566, %dma_wait3A_567] : memref<3x80x128xf32, #tpu.memory_space<vmem>> -> memref<1x80x128xf32, #tpu.memory_space<vmem>>
        %dma_wait3A_569 = tpu.memref_squeeze %dma_wait3A_568 : memref<1x80x128xf32, #tpu.memory_space<vmem>> -> memref<80x128xf32, #tpu.memory_space<vmem>>
        %dma_wait3A_570 = arith.constant 0 : i32
        %dma_wait3A_571 = tpu.memref_slice %arg5[%add3A_518, %dma_wait3A_570] : memref<125x80xi32, #tpu.memory_space<vmem>> -> memref<1x80xi32, #tpu.memory_space<vmem>>
        %dma_wait3A_572 = tpu.memref_squeeze %dma_wait3A_571 : memref<1x80xi32, #tpu.memory_space<vmem>> -> memref<80xi32, #tpu.memory_space<vmem>>
        %dma_wait3A_573 = arith.constant 0 : i32
        %dma_wait3A_574 = arith.constant 0 : i32
        %dma_wait3A_575 = tpu.memref_slice %arg7[%dma_wait3A_573, %dma_wait3A_574] : memref<10240x128xf32, #tpu.memory_space<vmem_shared>> -> memref<10240x128xf32, #tpu.memory_space<vmem_shared>>
        tpu.wait_indirect_dma semaphore(%run_scoped3A_555 : memref<!tpu.dma_semaphore, #tpu.memory_space<semaphore_mem>>) src(%dma_wait3A_569 : memref<80x128xf32, #tpu.memory_space<vmem>>) dst(%dma_wait3A_575 : memref<10240x128xf32, #tpu.memory_space<vmem_shared>>)
        tpu.yield
      }) : () -> ()
      %add3A_536 = arith.constant 3 : i32
      %add3A_537 = arith.addi %add3A_518, %add3A_536 : i32
      %mul3A_538 = arith.constant 80 : i32
      %mul3A_539 = arith.muli %add3A_537, %mul3A_538 : i32
      %add3A_540 = arith.addi %mul3A_2, %mul3A_539 : i32
      %dma_start3A_541 = arith.constant 2 : i32
      %dma_start3A_542 = arith.constant 0 : i32
      %dma_start3A_543 = arith.constant 0 : i32
      %dma_start3A_544 = tpu.memref_slice %arg6[%dma_start3A_541, %dma_start3A_542, %dma_start3A_543] : memref<3x80x128xf32, #tpu.memory_space<vmem>> -> memref<1x80x128xf32, #tpu.memory_space<vmem>>
      %dma_start3A_545 = tpu.memref_squeeze %dma_start3A_544 : memref<1x80x128xf32, #tpu.memory_space<vmem>> -> memref<80x128xf32, #tpu.memory_space<vmem>>
      %dma_start3A_546 = arith.constant 0 : i32
      %dma_start3A_547 = tpu.memref_slice %arg2[%add3A_540, %dma_start3A_546] : memref<320000x128xf32, #tpu.memory_space<hbm>> -> memref<80x128xf32, #tpu.memory_space<hbm>>
      %dma_start3A_548 = arith.constant 0 : i32
      %dma_start3A_549 = arith.constant 0 : i32
      %dma_start3A_550 = tpu.memref_slice %arg6[%dma_start3A_541, %dma_start3A_548, %dma_start3A_549] : memref<3x80x128xf32, #tpu.memory_space<vmem>> -> memref<1x80x128xf32, #tpu.memory_space<vmem>>
      %dma_start3A_551 = tpu.memref_squeeze %dma_start3A_550 : memref<1x80x128xf32, #tpu.memory_space<vmem>> -> memref<80x128xf32, #tpu.memory_space<vmem>>
      %dma_start3A_552 = arith.constant 0 : i32
      %dma_start3A_553 = tpu.memref_slice %arg2[%add3A_540, %dma_start3A_552] : memref<320000x128xf32, #tpu.memory_space<hbm>> -> memref<80x128xf32, #tpu.memory_space<hbm>>
      tpu.enqueue_dma source(%dma_start3A_553 : memref<80x128xf32, #tpu.memory_space<hbm>>) target(%dma_start3A_551 : memref<80x128xf32, #tpu.memory_space<vmem>>) target_semaphore(%arg12 : memref<!tpu.dma_semaphore, #tpu.memory_space<semaphore_mem>>)
      %scan3A_554 = arith.constant 0 : i32
      scf.yield %scan3A_554 : i32
    }
    %scan3A_315 = arith.constant 40 : i32
    %add3A_316 = arith.constant 9600 : i32
    %add3A_317 = arith.addi %mul3A_2, %add3A_316 : i32
    %dma_wait3A_318 = arith.constant 0 : i32
    %dma_wait3A_319 = arith.constant 0 : i32
    %dma_wait3A_320 = arith.constant 0 : i32
    %dma_wait3A_321 = tpu.memref_slice %arg6[%dma_wait3A_318, %dma_wait3A_319, %dma_wait3A_320] : memref<3x80x128xf32, #tpu.memory_space<vmem>> -> memref<1x80x128xf32, #tpu.memory_space<vmem>>
    %dma_wait3A_322 = tpu.memref_squeeze %dma_wait3A_321 : memref<1x80x128xf32, #tpu.memory_space<vmem>> -> memref<80x128xf32, #tpu.memory_space<vmem>>
    %dma_wait3A_323 = arith.constant 0 : i32
    %dma_wait3A_324 = tpu.memref_slice %arg2[%add3A_317, %dma_wait3A_323] : memref<320000x128xf32, #tpu.memory_space<hbm>> -> memref<80x128xf32, #tpu.memory_space<hbm>>
    %dma_wait3A_325 = arith.constant 0 : i32
    %dma_wait3A_326 = arith.constant 0 : i32
    %dma_wait3A_327 = tpu.memref_slice %arg6[%dma_wait3A_318, %dma_wait3A_325, %dma_wait3A_326] : memref<3x80x128xf32, #tpu.memory_space<vmem>> -> memref<1x80x128xf32, #tpu.memory_space<vmem>>
    %dma_wait3A_328 = tpu.memref_squeeze %dma_wait3A_327 : memref<1x80x128xf32, #tpu.memory_space<vmem>> -> memref<80x128xf32, #tpu.memory_space<vmem>>
    %dma_wait3A_329 = arith.constant 0 : i32
    %dma_wait3A_330 = tpu.memref_slice %arg2[%add3A_317, %dma_wait3A_329] : memref<320000x128xf32, #tpu.memory_space<hbm>> -> memref<80x128xf32, #tpu.memory_space<hbm>>
    tpu.wait_dma2 semaphore(%arg10 : memref<!tpu.dma_semaphore, #tpu.memory_space<semaphore_mem>>) src(%dma_wait3A_330 : memref<80x128xf32, #tpu.memory_space<hbm>>) dst(%dma_wait3A_328 : memref<80x128xf32, #tpu.memory_space<vmem>>)
    %run_scoped3A = arith.constant 0 : i32
    %run_scoped3A_331 = arith.constant 120 : i32
    "tpu.region"() ({
      %run_scoped3A_435 = tpu.sem_alloc : memref<!tpu.dma_semaphore, #tpu.memory_space<semaphore_mem>>
      %dma_start3A_436 = arith.constant 0 : i32
      %dma_start3A_437 = arith.constant 0 : i32
      %dma_start3A_438 = tpu.memref_slice %arg6[%run_scoped3A, %dma_start3A_436, %dma_start3A_437] : memref<3x80x128xf32, #tpu.memory_space<vmem>> -> memref<1x80x128xf32, #tpu.memory_space<vmem>>
      %dma_start3A_439 = tpu.memref_squeeze %dma_start3A_438 : memref<1x80x128xf32, #tpu.memory_space<vmem>> -> memref<80x128xf32, #tpu.memory_space<vmem>>
      %dma_start3A_440 = arith.constant 0 : i32
      %dma_start3A_441 = tpu.memref_slice %arg5[%run_scoped3A_331, %dma_start3A_440] : memref<125x80xi32, #tpu.memory_space<vmem>> -> memref<1x80xi32, #tpu.memory_space<vmem>>
      %dma_start3A_442 = tpu.memref_squeeze %dma_start3A_441 : memref<1x80xi32, #tpu.memory_space<vmem>> -> memref<80xi32, #tpu.memory_space<vmem>>
      %dma_start3A_443 = arith.constant 0 : i32
      %dma_start3A_444 = arith.constant 0 : i32
      %dma_start3A_445 = tpu.memref_slice %arg7[%dma_start3A_443, %dma_start3A_444] : memref<10240x128xf32, #tpu.memory_space<vmem_shared>> -> memref<10240x128xf32, #tpu.memory_space<vmem_shared>>
      tpu.enqueue_indirect_dma source(%dma_start3A_439 : memref<80x128xf32, #tpu.memory_space<vmem>>) target(%dma_start3A_445 : memref<10240x128xf32, #tpu.memory_space<vmem_shared>>) offsets(%dma_start3A_442 : memref<80xi32, #tpu.memory_space<vmem>>) semaphore(%run_scoped3A_435 : memref<!tpu.dma_semaphore, #tpu.memory_space<semaphore_mem>>) {add = true}
      %dma_wait3A_446 = arith.constant 0 : i32
      %dma_wait3A_447 = arith.constant 0 : i32
      %dma_wait3A_448 = tpu.memref_slice %arg6[%run_scoped3A, %dma_wait3A_446, %dma_wait3A_447] : memref<3x80x128xf32, #tpu.memory_space<vmem>> -> memref<1x80x128xf32, #tpu.memory_space<vmem>>
      %dma_wait3A_449 = tpu.memref_squeeze %dma_wait3A_448 : memref<1x80x128xf32, #tpu.memory_space<vmem>> -> memref<80x128xf32, #tpu.memory_space<vmem>>
      %dma_wait3A_450 = arith.constant 0 : i32
      %dma_wait3A_451 = tpu.memref_slice %arg5[%run_scoped3A_331, %dma_wait3A_450] : memref<125x80xi32, #tpu.memory_space<vmem>> -> memref<1x80xi32, #tpu.memory_space<vmem>>
      %dma_wait3A_452 = tpu.memref_squeeze %dma_wait3A_451 : memref<1x80xi32, #tpu.memory_space<vmem>> -> memref<80xi32, #tpu.memory_space<vmem>>
      %dma_wait3A_453 = arith.constant 0 : i32
      %dma_wait3A_454 = arith.constant 0 : i32
      %dma_wait3A_455 = tpu.memref_slice %arg7[%dma_wait3A_453, %dma_wait3A_454] : memref<10240x128xf32, #tpu.memory_space<vmem_shared>> -> memref<10240x128xf32, #tpu.memory_space<vmem_shared>>
      tpu.wait_indirect_dma semaphore(%run_scoped3A_435 : memref<!tpu.dma_semaphore, #tpu.memory_space<semaphore_mem>>) src(%dma_wait3A_449 : memref<80x128xf32, #tpu.memory_space<vmem>>) dst(%dma_wait3A_455 : memref<10240x128xf32, #tpu.memory_space<vmem_shared>>)
      tpu.yield
    }) : () -> ()
    %add3A_332 = arith.constant 9840 : i32
    %add3A_333 = arith.addi %mul3A_2, %add3A_332 : i32
    %dma_start3A_334 = arith.constant 0 : i32
    %dma_start3A_335 = arith.constant 0 : i32
    %dma_start3A_336 = arith.constant 0 : i32
    %dma_start3A_337 = tpu.memref_slice %arg6[%dma_start3A_334, %dma_start3A_335, %dma_start3A_336] : memref<3x80x128xf32, #tpu.memory_space<vmem>> -> memref<1x80x128xf32, #tpu.memory_space<vmem>>
    %dma_start3A_338 = tpu.memref_squeeze %dma_start3A_337 : memref<1x80x128xf32, #tpu.memory_space<vmem>> -> memref<80x128xf32, #tpu.memory_space<vmem>>
    %dma_start3A_339 = arith.constant 0 : i32
    %dma_start3A_340 = tpu.memref_slice %arg2[%add3A_333, %dma_start3A_339] : memref<320000x128xf32, #tpu.memory_space<hbm>> -> memref<80x128xf32, #tpu.memory_space<hbm>>
    %dma_start3A_341 = arith.constant 0 : i32
    %dma_start3A_342 = arith.constant 0 : i32
    %dma_start3A_343 = tpu.memref_slice %arg6[%dma_start3A_334, %dma_start3A_341, %dma_start3A_342] : memref<3x80x128xf32, #tpu.memory_space<vmem>> -> memref<1x80x128xf32, #tpu.memory_space<vmem>>
    %dma_start3A_344 = tpu.memref_squeeze %dma_start3A_343 : memref<1x80x128xf32, #tpu.memory_space<vmem>> -> memref<80x128xf32, #tpu.memory_space<vmem>>
    %dma_start3A_345 = arith.constant 0 : i32
    %dma_start3A_346 = tpu.memref_slice %arg2[%add3A_333, %dma_start3A_345] : memref<320000x128xf32, #tpu.memory_space<hbm>> -> memref<80x128xf32, #tpu.memory_space<hbm>>
    tpu.enqueue_dma source(%dma_start3A_346 : memref<80x128xf32, #tpu.memory_space<hbm>>) target(%dma_start3A_344 : memref<80x128xf32, #tpu.memory_space<vmem>>) target_semaphore(%arg10 : memref<!tpu.dma_semaphore, #tpu.memory_space<semaphore_mem>>)
    %add3A_347 = arith.constant 9680 : i32
    %add3A_348 = arith.addi %mul3A_2, %add3A_347 : i32
    %dma_wait3A_349 = arith.constant 1 : i32
    %dma_wait3A_350 = arith.constant 0 : i32
    %dma_wait3A_351 = arith.constant 0 : i32
    %dma_wait3A_352 = tpu.memref_slice %arg6[%dma_wait3A_349, %dma_wait3A_350, %dma_wait3A_351] : memref<3x80x128xf32, #tpu.memory_space<vmem>> -> memref<1x80x128xf32, #tpu.memory_space<vmem>>
    %dma_wait3A_353 = tpu.memref_squeeze %dma_wait3A_352 : memref<1x80x128xf32, #tpu.memory_space<vmem>> -> memref<80x128xf32, #tpu.memory_space<vmem>>
    %dma_wait3A_354 = arith.constant 0 : i32
    %dma_wait3A_355 = tpu.memref_slice %arg2[%add3A_348, %dma_wait3A_354] : memref<320000x128xf32, #tpu.memory_space<hbm>> -> memref<80x128xf32, #tpu.memory_space<hbm>>
    %dma_wait3A_356 = arith.constant 0 : i32
    %dma_wait3A_357 = arith.constant 0 : i32
    %dma_wait3A_358 = tpu.memref_slice %arg6[%dma_wait3A_349, %dma_wait3A_356, %dma_wait3A_357] : memref<3x80x128xf32, #tpu.memory_space<vmem>> -> memref<1x80x128xf32, #tpu.memory_space<vmem>>
    %dma_wait3A_359 = tpu.memref_squeeze %dma_wait3A_358 : memref<1x80x128xf32, #tpu.memory_space<vmem>> -> memref<80x128xf32, #tpu.memory_space<vmem>>
    %dma_wait3A_360 = arith.constant 0 : i32
    %dma_wait3A_361 = tpu.memref_slice %arg2[%add3A_348, %dma_wait3A_360] : memref<320000x128xf32, #tpu.memory_space<hbm>> -> memref<80x128xf32, #tpu.memory_space<hbm>>
    tpu.wait_dma2 semaphore(%arg11 : memref<!tpu.dma_semaphore, #tpu.memory_space<semaphore_mem>>) src(%dma_wait3A_361 : memref<80x128xf32, #tpu.memory_space<hbm>>) dst(%dma_wait3A_359 : memref<80x128xf32, #tpu.memory_space<vmem>>)
    %run_scoped3A_362 = arith.constant 1 : i32
    %run_scoped3A_363 = arith.constant 121 : i32
    "tpu.region"() ({
      %run_scoped3A_435 = tpu.sem_alloc : memref<!tpu.dma_semaphore, #tpu.memory_space<semaphore_mem>>
      %dma_start3A_436 = arith.constant 0 : i32
      %dma_start3A_437 = arith.constant 0 : i32
      %dma_start3A_438 = tpu.memref_slice %arg6[%run_scoped3A_362, %dma_start3A_436, %dma_start3A_437] : memref<3x80x128xf32, #tpu.memory_space<vmem>> -> memref<1x80x128xf32, #tpu.memory_space<vmem>>
      %dma_start3A_439 = tpu.memref_squeeze %dma_start3A_438 : memref<1x80x128xf32, #tpu.memory_space<vmem>> -> memref<80x128xf32, #tpu.memory_space<vmem>>
      %dma_start3A_440 = arith.constant 0 : i32
      %dma_start3A_441 = tpu.memref_slice %arg5[%run_scoped3A_363, %dma_start3A_440] : memref<125x80xi32, #tpu.memory_space<vmem>> -> memref<1x80xi32, #tpu.memory_space<vmem>>
      %dma_start3A_442 = tpu.memref_squeeze %dma_start3A_441 : memref<1x80xi32, #tpu.memory_space<vmem>> -> memref<80xi32, #tpu.memory_space<vmem>>
      %dma_start3A_443 = arith.constant 0 : i32
      %dma_start3A_444 = arith.constant 0 : i32
      %dma_start3A_445 = tpu.memref_slice %arg7[%dma_start3A_443, %dma_start3A_444] : memref<10240x128xf32, #tpu.memory_space<vmem_shared>> -> memref<10240x128xf32, #tpu.memory_space<vmem_shared>>
      tpu.enqueue_indirect_dma source(%dma_start3A_439 : memref<80x128xf32, #tpu.memory_space<vmem>>) target(%dma_start3A_445 : memref<10240x128xf32, #tpu.memory_space<vmem_shared>>) offsets(%dma_start3A_442 : memref<80xi32, #tpu.memory_space<vmem>>) semaphore(%run_scoped3A_435 : memref<!tpu.dma_semaphore, #tpu.memory_space<semaphore_mem>>) {add = true}
      %dma_wait3A_446 = arith.constant 0 : i32
      %dma_wait3A_447 = arith.constant 0 : i32
      %dma_wait3A_448 = tpu.memref_slice %arg6[%run_scoped3A_362, %dma_wait3A_446, %dma_wait3A_447] : memref<3x80x128xf32, #tpu.memory_space<vmem>> -> memref<1x80x128xf32, #tpu.memory_space<vmem>>
      %dma_wait3A_449 = tpu.memref_squeeze %dma_wait3A_448 : memref<1x80x128xf32, #tpu.memory_space<vmem>> -> memref<80x128xf32, #tpu.memory_space<vmem>>
      %dma_wait3A_450 = arith.constant 0 : i32
      %dma_wait3A_451 = tpu.memref_slice %arg5[%run_scoped3A_363, %dma_wait3A_450] : memref<125x80xi32, #tpu.memory_space<vmem>> -> memref<1x80xi32, #tpu.memory_space<vmem>>
      %dma_wait3A_452 = tpu.memref_squeeze %dma_wait3A_451 : memref<1x80xi32, #tpu.memory_space<vmem>> -> memref<80xi32, #tpu.memory_space<vmem>>
      %dma_wait3A_453 = arith.constant 0 : i32
      %dma_wait3A_454 = arith.constant 0 : i32
      %dma_wait3A_455 = tpu.memref_slice %arg7[%dma_wait3A_453, %dma_wait3A_454] : memref<10240x128xf32, #tpu.memory_space<vmem_shared>> -> memref<10240x128xf32, #tpu.memory_space<vmem_shared>>
      tpu.wait_indirect_dma semaphore(%run_scoped3A_435 : memref<!tpu.dma_semaphore, #tpu.memory_space<semaphore_mem>>) src(%dma_wait3A_449 : memref<80x128xf32, #tpu.memory_space<vmem>>) dst(%dma_wait3A_455 : memref<10240x128xf32, #tpu.memory_space<vmem_shared>>)
      tpu.yield
    }) : () -> ()
    %add3A_364 = arith.constant 9920 : i32
    %add3A_365 = arith.addi %mul3A_2, %add3A_364 : i32
    %dma_start3A_366 = arith.constant 1 : i32
    %dma_start3A_367 = arith.constant 0 : i32
    %dma_start3A_368 = arith.constant 0 : i32
    %dma_start3A_369 = tpu.memref_slice %arg6[%dma_start3A_366, %dma_start3A_367, %dma_start3A_368] : memref<3x80x128xf32, #tpu.memory_space<vmem>> -> memref<1x80x128xf32, #tpu.memory_space<vmem>>
    %dma_start3A_370 = tpu.memref_squeeze %dma_start3A_369 : memref<1x80x128xf32, #tpu.memory_space<vmem>> -> memref<80x128xf32, #tpu.memory_space<vmem>>
    %dma_start3A_371 = arith.constant 0 : i32
    %dma_start3A_372 = tpu.memref_slice %arg2[%add3A_365, %dma_start3A_371] : memref<320000x128xf32, #tpu.memory_space<hbm>> -> memref<80x128xf32, #tpu.memory_space<hbm>>
    %dma_start3A_373 = arith.constant 0 : i32
    %dma_start3A_374 = arith.constant 0 : i32
    %dma_start3A_375 = tpu.memref_slice %arg6[%dma_start3A_366, %dma_start3A_373, %dma_start3A_374] : memref<3x80x128xf32, #tpu.memory_space<vmem>> -> memref<1x80x128xf32, #tpu.memory_space<vmem>>
    %dma_start3A_376 = tpu.memref_squeeze %dma_start3A_375 : memref<1x80x128xf32, #tpu.memory_space<vmem>> -> memref<80x128xf32, #tpu.memory_space<vmem>>
    %dma_start3A_377 = arith.constant 0 : i32
    %dma_start3A_378 = tpu.memref_slice %arg2[%add3A_365, %dma_start3A_377] : memref<320000x128xf32, #tpu.memory_space<hbm>> -> memref<80x128xf32, #tpu.memory_space<hbm>>
    tpu.enqueue_dma source(%dma_start3A_378 : memref<80x128xf32, #tpu.memory_space<hbm>>) target(%dma_start3A_376 : memref<80x128xf32, #tpu.memory_space<vmem>>) target_semaphore(%arg11 : memref<!tpu.dma_semaphore, #tpu.memory_space<semaphore_mem>>)
    %add3A_379 = arith.constant 9760 : i32
    %add3A_380 = arith.addi %mul3A_2, %add3A_379 : i32
    %dma_wait3A_381 = arith.constant 2 : i32
    %dma_wait3A_382 = arith.constant 0 : i32
    %dma_wait3A_383 = arith.constant 0 : i32
    %dma_wait3A_384 = tpu.memref_slice %arg6[%dma_wait3A_381, %dma_wait3A_382, %dma_wait3A_383] : memref<3x80x128xf32, #tpu.memory_space<vmem>> -> memref<1x80x128xf32, #tpu.memory_space<vmem>>
    %dma_wait3A_385 = tpu.memref_squeeze %dma_wait3A_384 : memref<1x80x128xf32, #tpu.memory_space<vmem>> -> memref<80x128xf32, #tpu.memory_space<vmem>>
    %dma_wait3A_386 = arith.constant 0 : i32
    %dma_wait3A_387 = tpu.memref_slice %arg2[%add3A_380, %dma_wait3A_386] : memref<320000x128xf32, #tpu.memory_space<hbm>> -> memref<80x128xf32, #tpu.memory_space<hbm>>
    %dma_wait3A_388 = arith.constant 0 : i32
    %dma_wait3A_389 = arith.constant 0 : i32
    %dma_wait3A_390 = tpu.memref_slice %arg6[%dma_wait3A_381, %dma_wait3A_388, %dma_wait3A_389] : memref<3x80x128xf32, #tpu.memory_space<vmem>> -> memref<1x80x128xf32, #tpu.memory_space<vmem>>
    %dma_wait3A_391 = tpu.memref_squeeze %dma_wait3A_390 : memref<1x80x128xf32, #tpu.memory_space<vmem>> -> memref<80x128xf32, #tpu.memory_space<vmem>>
    %dma_wait3A_392 = arith.constant 0 : i32
    %dma_wait3A_393 = tpu.memref_slice %arg2[%add3A_380, %dma_wait3A_392] : memref<320000x128xf32, #tpu.memory_space<hbm>> -> memref<80x128xf32, #tpu.memory_space<hbm>>
    tpu.wait_dma2 semaphore(%arg12 : memref<!tpu.dma_semaphore, #tpu.memory_space<semaphore_mem>>) src(%dma_wait3A_393 : memref<80x128xf32, #tpu.memory_space<hbm>>) dst(%dma_wait3A_391 : memref<80x128xf32, #tpu.memory_space<vmem>>)
    %run_scoped3A_394 = arith.constant 2 : i32
    %run_scoped3A_395 = arith.constant 122 : i32
    "tpu.region"() ({
      %run_scoped3A_435 = tpu.sem_alloc : memref<!tpu.dma_semaphore, #tpu.memory_space<semaphore_mem>>
      %dma_start3A_436 = arith.constant 0 : i32
      %dma_start3A_437 = arith.constant 0 : i32
      %dma_start3A_438 = tpu.memref_slice %arg6[%run_scoped3A_394, %dma_start3A_436, %dma_start3A_437] : memref<3x80x128xf32, #tpu.memory_space<vmem>> -> memref<1x80x128xf32, #tpu.memory_space<vmem>>
      %dma_start3A_439 = tpu.memref_squeeze %dma_start3A_438 : memref<1x80x128xf32, #tpu.memory_space<vmem>> -> memref<80x128xf32, #tpu.memory_space<vmem>>
      %dma_start3A_440 = arith.constant 0 : i32
      %dma_start3A_441 = tpu.memref_slice %arg5[%run_scoped3A_395, %dma_start3A_440] : memref<125x80xi32, #tpu.memory_space<vmem>> -> memref<1x80xi32, #tpu.memory_space<vmem>>
      %dma_start3A_442 = tpu.memref_squeeze %dma_start3A_441 : memref<1x80xi32, #tpu.memory_space<vmem>> -> memref<80xi32, #tpu.memory_space<vmem>>
      %dma_start3A_443 = arith.constant 0 : i32
      %dma_start3A_444 = arith.constant 0 : i32
      %dma_start3A_445 = tpu.memref_slice %arg7[%dma_start3A_443, %dma_start3A_444] : memref<10240x128xf32, #tpu.memory_space<vmem_shared>> -> memref<10240x128xf32, #tpu.memory_space<vmem_shared>>
      tpu.enqueue_indirect_dma source(%dma_start3A_439 : memref<80x128xf32, #tpu.memory_space<vmem>>) target(%dma_start3A_445 : memref<10240x128xf32, #tpu.memory_space<vmem_shared>>) offsets(%dma_start3A_442 : memref<80xi32, #tpu.memory_space<vmem>>) semaphore(%run_scoped3A_435 : memref<!tpu.dma_semaphore, #tpu.memory_space<semaphore_mem>>) {add = true}
      %dma_wait3A_446 = arith.constant 0 : i32
      %dma_wait3A_447 = arith.constant 0 : i32
      %dma_wait3A_448 = tpu.memref_slice %arg6[%run_scoped3A_394, %dma_wait3A_446, %dma_wait3A_447] : memref<3x80x128xf32, #tpu.memory_space<vmem>> -> memref<1x80x128xf32, #tpu.memory_space<vmem>>
      %dma_wait3A_449 = tpu.memref_squeeze %dma_wait3A_448 : memref<1x80x128xf32, #tpu.memory_space<vmem>> -> memref<80x128xf32, #tpu.memory_space<vmem>>
      %dma_wait3A_450 = arith.constant 0 : i32
      %dma_wait3A_451 = tpu.memref_slice %arg5[%run_scoped3A_395, %dma_wait3A_450] : memref<125x80xi32, #tpu.memory_space<vmem>> -> memref<1x80xi32, #tpu.memory_space<vmem>>
      %dma_wait3A_452 = tpu.memref_squeeze %dma_wait3A_451 : memref<1x80xi32, #tpu.memory_space<vmem>> -> memref<80xi32, #tpu.memory_space<vmem>>
      %dma_wait3A_453 = arith.constant 0 : i32
      %dma_wait3A_454 = arith.constant 0 : i32
      %dma_wait3A_455 = tpu.memref_slice %arg7[%dma_wait3A_453, %dma_wait3A_454] : memref<10240x128xf32, #tpu.memory_space<vmem_shared>> -> memref<10240x128xf32, #tpu.memory_space<vmem_shared>>
      tpu.wait_indirect_dma semaphore(%run_scoped3A_435 : memref<!tpu.dma_semaphore, #tpu.memory_space<semaphore_mem>>) src(%dma_wait3A_449 : memref<80x128xf32, #tpu.memory_space<vmem>>) dst(%dma_wait3A_455 : memref<10240x128xf32, #tpu.memory_space<vmem_shared>>)
      tpu.yield
    }) : () -> ()
    %add3A_396 = arith.constant 9840 : i32
    %add3A_397 = arith.addi %mul3A_2, %add3A_396 : i32
    %dma_wait3A_398 = arith.constant 0 : i32
    %dma_wait3A_399 = arith.constant 0 : i32
    %dma_wait3A_400 = arith.constant 0 : i32
    %dma_wait3A_401 = tpu.memref_slice %arg6[%dma_wait3A_398, %dma_wait3A_399, %dma_wait3A_400] : memref<3x80x128xf32, #tpu.memory_space<vmem>> -> memref<1x80x128xf32, #tpu.memory_space<vmem>>
    %dma_wait3A_402 = tpu.memref_squeeze %dma_wait3A_401 : memref<1x80x128xf32, #tpu.memory_space<vmem>> -> memref<80x128xf32, #tpu.memory_space<vmem>>
    %dma_wait3A_403 = arith.constant 0 : i32
    %dma_wait3A_404 = tpu.memref_slice %arg2[%add3A_397, %dma_wait3A_403] : memref<320000x128xf32, #tpu.memory_space<hbm>> -> memref<80x128xf32, #tpu.memory_space<hbm>>
    %dma_wait3A_405 = arith.constant 0 : i32
    %dma_wait3A_406 = arith.constant 0 : i32
    %dma_wait3A_407 = tpu.memref_slice %arg6[%dma_wait3A_398, %dma_wait3A_405, %dma_wait3A_406] : memref<3x80x128xf32, #tpu.memory_space<vmem>> -> memref<1x80x128xf32, #tpu.memory_space<vmem>>
    %dma_wait3A_408 = tpu.memref_squeeze %dma_wait3A_407 : memref<1x80x128xf32, #tpu.memory_space<vmem>> -> memref<80x128xf32, #tpu.memory_space<vmem>>
    %dma_wait3A_409 = arith.constant 0 : i32
    %dma_wait3A_410 = tpu.memref_slice %arg2[%add3A_397, %dma_wait3A_409] : memref<320000x128xf32, #tpu.memory_space<hbm>> -> memref<80x128xf32, #tpu.memory_space<hbm>>
    tpu.wait_dma2 semaphore(%arg10 : memref<!tpu.dma_semaphore, #tpu.memory_space<semaphore_mem>>) src(%dma_wait3A_410 : memref<80x128xf32, #tpu.memory_space<hbm>>) dst(%dma_wait3A_408 : memref<80x128xf32, #tpu.memory_space<vmem>>)
    %run_scoped3A_411 = arith.constant 0 : i32
    %run_scoped3A_412 = arith.constant 123 : i32
    "tpu.region"() ({
      %run_scoped3A_435 = tpu.sem_alloc : memref<!tpu.dma_semaphore, #tpu.memory_space<semaphore_mem>>
      %dma_start3A_436 = arith.constant 0 : i32
      %dma_start3A_437 = arith.constant 0 : i32
      %dma_start3A_438 = tpu.memref_slice %arg6[%run_scoped3A_411, %dma_start3A_436, %dma_start3A_437] : memref<3x80x128xf32, #tpu.memory_space<vmem>> -> memref<1x80x128xf32, #tpu.memory_space<vmem>>
      %dma_start3A_439 = tpu.memref_squeeze %dma_start3A_438 : memref<1x80x128xf32, #tpu.memory_space<vmem>> -> memref<80x128xf32, #tpu.memory_space<vmem>>
      %dma_start3A_440 = arith.constant 0 : i32
      %dma_start3A_441 = tpu.memref_slice %arg5[%run_scoped3A_412, %dma_start3A_440] : memref<125x80xi32, #tpu.memory_space<vmem>> -> memref<1x80xi32, #tpu.memory_space<vmem>>
      %dma_start3A_442 = tpu.memref_squeeze %dma_start3A_441 : memref<1x80xi32, #tpu.memory_space<vmem>> -> memref<80xi32, #tpu.memory_space<vmem>>
      %dma_start3A_443 = arith.constant 0 : i32
      %dma_start3A_444 = arith.constant 0 : i32
      %dma_start3A_445 = tpu.memref_slice %arg7[%dma_start3A_443, %dma_start3A_444] : memref<10240x128xf32, #tpu.memory_space<vmem_shared>> -> memref<10240x128xf32, #tpu.memory_space<vmem_shared>>
      tpu.enqueue_indirect_dma source(%dma_start3A_439 : memref<80x128xf32, #tpu.memory_space<vmem>>) target(%dma_start3A_445 : memref<10240x128xf32, #tpu.memory_space<vmem_shared>>) offsets(%dma_start3A_442 : memref<80xi32, #tpu.memory_space<vmem>>) semaphore(%run_scoped3A_435 : memref<!tpu.dma_semaphore, #tpu.memory_space<semaphore_mem>>) {add = true}
      %dma_wait3A_446 = arith.constant 0 : i32
      %dma_wait3A_447 = arith.constant 0 : i32
      %dma_wait3A_448 = tpu.memref_slice %arg6[%run_scoped3A_411, %dma_wait3A_446, %dma_wait3A_447] : memref<3x80x128xf32, #tpu.memory_space<vmem>> -> memref<1x80x128xf32, #tpu.memory_space<vmem>>
      %dma_wait3A_449 = tpu.memref_squeeze %dma_wait3A_448 : memref<1x80x128xf32, #tpu.memory_space<vmem>> -> memref<80x128xf32, #tpu.memory_space<vmem>>
      %dma_wait3A_450 = arith.constant 0 : i32
      %dma_wait3A_451 = tpu.memref_slice %arg5[%run_scoped3A_412, %dma_wait3A_450] : memref<125x80xi32, #tpu.memory_space<vmem>> -> memref<1x80xi32, #tpu.memory_space<vmem>>
      %dma_wait3A_452 = tpu.memref_squeeze %dma_wait3A_451 : memref<1x80xi32, #tpu.memory_space<vmem>> -> memref<80xi32, #tpu.memory_space<vmem>>
      %dma_wait3A_453 = arith.constant 0 : i32
      %dma_wait3A_454 = arith.constant 0 : i32
      %dma_wait3A_455 = tpu.memref_slice %arg7[%dma_wait3A_453, %dma_wait3A_454] : memref<10240x128xf32, #tpu.memory_space<vmem_shared>> -> memref<10240x128xf32, #tpu.memory_space<vmem_shared>>
      tpu.wait_indirect_dma semaphore(%run_scoped3A_435 : memref<!tpu.dma_semaphore, #tpu.memory_space<semaphore_mem>>) src(%dma_wait3A_449 : memref<80x128xf32, #tpu.memory_space<vmem>>) dst(%dma_wait3A_455 : memref<10240x128xf32, #tpu.memory_space<vmem_shared>>)
      tpu.yield
    }) : () -> ()
    %add3A_413 = arith.constant 9920 : i32
    %add3A_414 = arith.addi %mul3A_2, %add3A_413 : i32
    %dma_wait3A_415 = arith.constant 1 : i32
    %dma_wait3A_416 = arith.constant 0 : i32
    %dma_wait3A_417 = arith.constant 0 : i32
    %dma_wait3A_418 = tpu.memref_slice %arg6[%dma_wait3A_415, %dma_wait3A_416, %dma_wait3A_417] : memref<3x80x128xf32, #tpu.memory_space<vmem>> -> memref<1x80x128xf32, #tpu.memory_space<vmem>>
    %dma_wait3A_419 = tpu.memref_squeeze %dma_wait3A_418 : memref<1x80x128xf32, #tpu.memory_space<vmem>> -> memref<80x128xf32, #tpu.memory_space<vmem>>
    %dma_wait3A_420 = arith.constant 0 : i32
    %dma_wait3A_421 = tpu.memref_slice %arg2[%add3A_414, %dma_wait3A_420] : memref<320000x128xf32, #tpu.memory_space<hbm>> -> memref<80x128xf32, #tpu.memory_space<hbm>>
    %dma_wait3A_422 = arith.constant 0 : i32
    %dma_wait3A_423 = arith.constant 0 : i32
    %dma_wait3A_424 = tpu.memref_slice %arg6[%dma_wait3A_415, %dma_wait3A_422, %dma_wait3A_423] : memref<3x80x128xf32, #tpu.memory_space<vmem>> -> memref<1x80x128xf32, #tpu.memory_space<vmem>>
    %dma_wait3A_425 = tpu.memref_squeeze %dma_wait3A_424 : memref<1x80x128xf32, #tpu.memory_space<vmem>> -> memref<80x128xf32, #tpu.memory_space<vmem>>
    %dma_wait3A_426 = arith.constant 0 : i32
    %dma_wait3A_427 = tpu.memref_slice %arg2[%add3A_414, %dma_wait3A_426] : memref<320000x128xf32, #tpu.memory_space<hbm>> -> memref<80x128xf32, #tpu.memory_space<hbm>>
    tpu.wait_dma2 semaphore(%arg11 : memref<!tpu.dma_semaphore, #tpu.memory_space<semaphore_mem>>) src(%dma_wait3A_427 : memref<80x128xf32, #tpu.memory_space<hbm>>) dst(%dma_wait3A_425 : memref<80x128xf32, #tpu.memory_space<vmem>>)
    %run_scoped3A_428 = arith.constant 1 : i32
    %run_scoped3A_429 = arith.constant 124 : i32
    "tpu.region"() ({
      %run_scoped3A_435 = tpu.sem_alloc : memref<!tpu.dma_semaphore, #tpu.memory_space<semaphore_mem>>
      %dma_start3A_436 = arith.constant 0 : i32
      %dma_start3A_437 = arith.constant 0 : i32
      %dma_start3A_438 = tpu.memref_slice %arg6[%run_scoped3A_428, %dma_start3A_436, %dma_start3A_437] : memref<3x80x128xf32, #tpu.memory_space<vmem>> -> memref<1x80x128xf32, #tpu.memory_space<vmem>>
      %dma_start3A_439 = tpu.memref_squeeze %dma_start3A_438 : memref<1x80x128xf32, #tpu.memory_space<vmem>> -> memref<80x128xf32, #tpu.memory_space<vmem>>
      %dma_start3A_440 = arith.constant 0 : i32
      %dma_start3A_441 = tpu.memref_slice %arg5[%run_scoped3A_429, %dma_start3A_440] : memref<125x80xi32, #tpu.memory_space<vmem>> -> memref<1x80xi32, #tpu.memory_space<vmem>>
      %dma_start3A_442 = tpu.memref_squeeze %dma_start3A_441 : memref<1x80xi32, #tpu.memory_space<vmem>> -> memref<80xi32, #tpu.memory_space<vmem>>
      %dma_start3A_443 = arith.constant 0 : i32
      %dma_start3A_444 = arith.constant 0 : i32
      %dma_start3A_445 = tpu.memref_slice %arg7[%dma_start3A_443, %dma_start3A_444] : memref<10240x128xf32, #tpu.memory_space<vmem_shared>> -> memref<10240x128xf32, #tpu.memory_space<vmem_shared>>
      tpu.enqueue_indirect_dma source(%dma_start3A_439 : memref<80x128xf32, #tpu.memory_space<vmem>>) target(%dma_start3A_445 : memref<10240x128xf32, #tpu.memory_space<vmem_shared>>) offsets(%dma_start3A_442 : memref<80xi32, #tpu.memory_space<vmem>>) semaphore(%run_scoped3A_435 : memref<!tpu.dma_semaphore, #tpu.memory_space<semaphore_mem>>) {add = true}
      %dma_wait3A_446 = arith.constant 0 : i32
      %dma_wait3A_447 = arith.constant 0 : i32
      %dma_wait3A_448 = tpu.memref_slice %arg6[%run_scoped3A_428, %dma_wait3A_446, %dma_wait3A_447] : memref<3x80x128xf32, #tpu.memory_space<vmem>> -> memref<1x80x128xf32, #tpu.memory_space<vmem>>
      %dma_wait3A_449 = tpu.memref_squeeze %dma_wait3A_448 : memref<1x80x128xf32, #tpu.memory_space<vmem>> -> memref<80x128xf32, #tpu.memory_space<vmem>>
      %dma_wait3A_450 = arith.constant 0 : i32
      %dma_wait3A_451 = tpu.memref_slice %arg5[%run_scoped3A_429, %dma_wait3A_450] : memref<125x80xi32, #tpu.memory_space<vmem>> -> memref<1x80xi32, #tpu.memory_space<vmem>>
      %dma_wait3A_452 = tpu.memref_squeeze %dma_wait3A_451 : memref<1x80xi32, #tpu.memory_space<vmem>> -> memref<80xi32, #tpu.memory_space<vmem>>
      %dma_wait3A_453 = arith.constant 0 : i32
      %dma_wait3A_454 = arith.constant 0 : i32
      %dma_wait3A_455 = tpu.memref_slice %arg7[%dma_wait3A_453, %dma_wait3A_454] : memref<10240x128xf32, #tpu.memory_space<vmem_shared>> -> memref<10240x128xf32, #tpu.memory_space<vmem_shared>>
      tpu.wait_indirect_dma semaphore(%run_scoped3A_435 : memref<!tpu.dma_semaphore, #tpu.memory_space<semaphore_mem>>) src(%dma_wait3A_449 : memref<80x128xf32, #tpu.memory_space<vmem>>) dst(%dma_wait3A_455 : memref<10240x128xf32, #tpu.memory_space<vmem_shared>>)
      tpu.yield
    }) : () -> ()
    %barrier3A_430 = arith.constant 0 : index
    tpu.barrier barrier_id(%barrier3A_430)
    %mul3A_431 = arith.constant 640 : i32
    %mul3A_432 = arith.muli %arg1, %mul3A_431 : i32
    %mul3A_433 = arith.constant 640 : i32
    %mul3A_434 = arith.muli %arg1, %mul3A_433 : i32
    "tpu.region"() ({
      %run_scoped3A_435 = tpu.sem_alloc : memref<!tpu.dma_semaphore, #tpu.memory_space<semaphore_mem>>
      %dma_start3A_436 = arith.constant 0 : i32
      %dma_start3A_437 = tpu.memref_slice %arg4[%arg0, %mul3A_434, %dma_start3A_436] : memref<2x10240x128xf32, #tpu.memory_space<hbm>> -> memref<1x640x128xf32, #tpu.memory_space<hbm>>
      %dma_start3A_438 = tpu.memref_squeeze %dma_start3A_437 : memref<1x640x128xf32, #tpu.memory_space<hbm>> -> memref<640x128xf32, #tpu.memory_space<hbm>>
      %dma_start3A_439 = arith.constant 0 : i32
      %dma_start3A_440 = tpu.memref_slice %arg7[%mul3A_432, %dma_start3A_439] : memref<10240x128xf32, #tpu.memory_space<vmem_shared>> -> memref<640x128xf32, #tpu.memory_space<vmem_shared>>
      tpu.enqueue_dma source(%dma_start3A_440 : memref<640x128xf32, #tpu.memory_space<vmem_shared>>) target(%dma_start3A_438 : memref<640x128xf32, #tpu.memory_space<hbm>>) target_semaphore(%run_scoped3A_435 : memref<!tpu.dma_semaphore, #tpu.memory_space<semaphore_mem>>)
      %dma_wait3A_441 = arith.constant 0 : i32
      %dma_wait3A_442 = tpu.memref_slice %arg4[%arg0, %mul3A_434, %dma_wait3A_441] : memref<2x10240x128xf32, #tpu.memory_space<hbm>> -> memref<1x640x128xf32, #tpu.memory_space<hbm>>
      %dma_wait3A_443 = tpu.memref_squeeze %dma_wait3A_442 : memref<1x640x128xf32, #tpu.memory_space<hbm>> -> memref<640x128xf32, #tpu.memory_space<hbm>>
      %dma_wait3A_444 = arith.constant 0 : i32
      %dma_wait3A_445 = tpu.memref_slice %arg7[%mul3A_432, %dma_wait3A_444] : memref<10240x128xf32, #tpu.memory_space<vmem_shared>> -> memref<640x128xf32, #tpu.memory_space<vmem_shared>>
      tpu.wait_dma2 semaphore(%run_scoped3A_435 : memref<!tpu.dma_semaphore, #tpu.memory_space<semaphore_mem>>) src(%dma_wait3A_445 : memref<640x128xf32, #tpu.memory_space<vmem_shared>>) dst(%dma_wait3A_443 : memref<640x128xf32, #tpu.memory_space<hbm>>)
      tpu.yield
    }) : () -> ()
    return
  }
}

</mosaic_0001>

<sc_bundles>
// kernel: _sc_scatter.3.cloned.1.call-start
scs
__scs_entry_jumppad:
0x0: {  	(pc) =	sbr.rel $0x88, $3  }
0x1: {  	(tag) =	ssettag $0x0;
	lr =	simm.s32 $0x1  }
0x2: {  	[smem:$0x3F9F] =	sst lr;
	_ =	strace $0xD0000000  }
0x3: {  	_ = 	snop  }
0x4: {  	_ = 	snop  }
0x5: {  	_ = 	snop  }
0x6: {  	_ = 	snop  }
0x7: {  	_ = 	snop  }
__scs_overlays_trampoline_lowered:
0x8: {  	[smem:$0x3FAE] =	sst s0  }
0x9: {  	[smem:$0x3FAF] =	sst s1  }
0xa: {  	[smem:$0x3FB0] =	sst s2  }
0xb: {  	[smem:$0x3FB1] =	sst s3  }
0xc: {  	[smem:$0x3FB2] =	sst s4  }
0xd: {  	[smem:$0x3FB3] =	sst s5  }
0xe: {  	[smem:$0x3FB4] =	sst s6  }
0xf: {  	[smem:$0x3FB5] =	sst s7  }
0x10: {  	[smem:$0x3FB6] =	sst s8  }
0x11: {  	[smem:$0x3FB7] =	sst s9;
	s0 =	simm.s32 @!p0 $0x0  }
0x12: {  	s1 =	sld [smem:$0x3F9D];
	s0 =	simm.s32 @p0 $0x1  }
0x13: {  	[smem:$0x3FB8] =	sst s0;
	s0 =	simm.s32 @!p1 $0x0  }
0x14: {  	s2 =	sld [smem:$0x3F9C];
	s0 =	simm.s32 @p1 $0x1  }
0x15: {  	[smem:$0x3FB9] =	sst s0;
	s0 =	simm.s32 @!p2 $0x0  }
0x16: {  	s3 =	sld [smem:$0x3FDB];
	s0 =	simm.s32 @p2 $0x1  }
0x17: {  	s4 =	simm.s32 $0x1BF5;
	[smem:$0x3FBB] =	sst s0  }
0x18: {  	s0 =	sld [smem:$0x3F9E];
	_ =	swait.ge [sflag:s4], $0x0  }
0x19: {  	s7 =	sld [smem:$0x3F9F]  }
0x1a: {  	s8 =	sadd.s32 $0xFFFFE003, lr  }
0x1b: {  	s9 =	sadd.s32 $0xFFFFFEF7, lr;
	s5 =	simm.s32 $0xFFFFFFFF;
	p2 =	slt.u32 s8, $0xFFFFF086  }
0x1c: {  	p1 =	slt.u32 s9, $0xF7A;
	s5 =	simm.s32 @!p2 $0x0  }
0x1d: {  	s5 =	simm.s32 @p1 $0x1;
	p0 =	seq.s32 s7, s2  }
0x1e: {  	s7 =	smul.u32 @!p0 $0xF7A, s2;
	p2 =	seq.s32 @!p0 s5, $0x0  }
0x1f: {  	s9 =	smul.u32 $0xF7A, s1;
	s8 =	simm.s32 @!p0 $0x1BF5;
	p2 =	por !p2, p0  }
0x20: {  	[sflag:s8] =	ssyncset.s32 @!p0 $0xFFFFF086;
	s6 =	sadd.s32 @!p0 s3, s7;
	s7 =	simm.s32 @!p0 $0x108  }
0x21: {  	s3 =	sadd.s32 s3, s9;
	s6 =	sadd.s32 @!p0 $0x88, s6;
	s7 =	simm.s32 @p2 $0x1082  }
0x22: {  	[simem:s7], [sflag:s8] =	dma.local @!p0 [hbm:s6], $0xF7A  }
0x23: {  	s9 =	sor.u32 $0xD0000000, s2;
	s6 =	simm.s32 $0x108;
	_ =	swait.ge @!p0 [sflag:s8], $0x0  }
0x24: {  	s3 =	sadd.s32 $0x88, s3;
	s6 =	simm.s32 @!p1 $0x1082;
	[sflag:s4] =	ssyncset.s32 $0xFFFFF086  }
0x25: {  	[simem:s6], [sflag:s4] =	dma.local [hbm:s3], $0xF7A  }
0x26: {  	[smem:$0x3F9F] =	sst s1;
	(tag) =	ssettag s2;
	_ =	strace s9  }
0x27: {  	s1 =	sld [smem:$0x3FAF]  }
0x28: {  	s2 =	sld [smem:$0x3FB0]  }
0x29: {  	s4 =	sld [smem:$0x3FB2]  }
0x2a: {  	p0 =	seq.s32 s5, $0x0;
	s5 =	sld [smem:$0x3FB3]  }
0x2b: {  	s6 =	sld [smem:$0x3FB4]  }
0x2c: {  	s7 =	sld [smem:$0x3FB5]  }
0x2d: {  	s3 =	simm.s32 $0x108;
	s8 =	sld [smem:$0x3FB6]  }
0x2e: {  	s3 =	simm.s32 @!p0 $0x1082;
	s9 =	sld [smem:$0x3FB7]  }
0x2f: {  	lr =	sadd.s32 s0, s3;
	s0 =	sld [smem:$0x3FAE]  }
0x30: {  	s3 =	sld [smem:$0x3FB1]  }
0x31: {  	[smem:$0x3FBA] =	sst s10  }
0x32: {  	s10 =	sld [smem:$0x3FB8];
	_ =	sdelay $0x3  }
0x33: {  	p0 =	seq.s32 s10, $0x1;
	s10 =	sld [smem:$0x3FBA];
	_ =	sdelay $0x3  }
0x34: {  	[smem:$0x3FBA] =	sst s10  }
0x35: {  	s10 =	sld [smem:$0x3FB9];
	_ =	sdelay $0x3  }
0x36: {  	p1 =	seq.s32 s10, $0x1;
	s10 =	sld [smem:$0x3FBA];
	_ =	sdelay $0x3  }
0x37: {  	[smem:$0x3FBA] =	sst s10  }
0x38: {  	s10 =	sld [smem:$0x3FBB]  }
0x39: {  	_ = 	snop;
	(pc) =	sbr.ind lr, $3  }
0x3a: {  	_ = 	snop  }
0x3b: {  	_ = 	snop  }
0x3c: {  	p2 =	seq.s32 s10, $0x1;
	s10 =	sld [smem:$0x3FBA]  }
0x3d: {  	_ =	shalt  }
0x3e: {  	_ =	shalt  }
0x3f: {  	_ =	shalt  }
0x40: {  	_ =	shalt  }
0x41: {  	_ =	shalt  }
0x42: {  	_ =	shalt  }
0x43: {  	_ =	shalt  }
0x44: {  	_ =	shalt  }
0x45: {  	_ =	shalt  }
0x46: {  	_ =	shalt  }
0x47: {  	_ =	shalt  }
0x48: {  	_ =	shalt  }
0x49: {  	_ =	shalt  }
0x4a: {  	_ =	shalt  }
0x4b: {  	_ =	shalt  }
0x4c: {  	_ =	shalt  }
0x4d: {  	_ =	shalt  }
0x4e: {  	_ =	shalt  }
0x4f: {  	_ =	shalt  }
0x50: {  	_ =	shalt  }
0x51: {  	_ =	shalt  }
0x52: {  	_ =	shalt  }
0x53: {  	_ =	shalt  }
0x54: {  	_ =	shalt  }
0x55: {  	_ =	shalt  }
0x56: {  	_ =	shalt  }
0x57: {  	_ =	shalt  }
0x58: {  	_ =	shalt  }
0x59: {  	_ =	shalt  }
0x5a: {  	_ =	shalt  }
0x5b: {  	_ =	shalt  }
0x5c: {  	_ =	shalt  }
0x5d: {  	_ =	shalt  }
0x5e: {  	_ =	shalt  }
0x5f: {  	_ =	shalt  }
0x60: {  	_ =	shalt  }
0x61: {  	_ =	shalt  }
0x62: {  	_ =	shalt  }
0x63: {  	_ =	shalt  }
0x64: {  	_ =	shalt  }
0x65: {  	_ =	shalt  }
0x66: {  	_ =	shalt  }
0x67: {  	_ =	shalt  }
0x68: {  	_ =	shalt  }
0x69: {  	_ =	shalt  }
0x6a: {  	_ =	shalt  }
0x6b: {  	_ =	shalt  }
0x6c: {  	_ =	shalt  }
0x6d: {  	_ =	shalt  }
0x6e: {  	_ =	shalt  }
0x6f: {  	_ =	shalt  }
0x70: {  	_ =	shalt  }
0x71: {  	_ =	shalt  }
0x72: {  	_ =	shalt  }
0x73: {  	_ =	shalt  }
0x74: {  	_ =	shalt  }
0x75: {  	_ =	shalt  }
0x76: {  	_ =	shalt  }
0x77: {  	_ =	shalt  }
0x78: {  	_ =	shalt  }
0x79: {  	_ =	shalt  }
0x7a: {  	_ =	shalt  }
0x7b: {  	_ =	shalt  }
0x7c: {  	_ =	shalt  }
0x7d: {  	_ =	shalt  }
0x7e: {  	_ =	shalt  }
0x7f: {  	_ =	shalt  }
0x80: {  	_ =	shalt  }
0x81: {  	_ =	shalt  }
0x82: {  	_ =	shalt  }
0x83: {  	_ =	shalt  }
0x84: {  	_ =	shalt  }
0x85: {  	_ =	shalt  }
0x86: {  	_ =	shalt  }
0x87: {  	_ =	shalt  }
.Lfunc_end0:
.L_simem_size_0:
called_computation_lowered:
.L_overlay_start_0:
0x88: {  	s2 =	sld [smem:$0x3FD9]  }
0x89: {  	s3 =	sld [smem:$0x3FFE];
	_ =	sdelay $0x1  }
0x8a: {  	s1 =	srdreg.scid  }
0x8b: {  	s0 =	sand.u32 $0x1, s1  }
0x8c: {  	s17 =	sshll.u32 s0, $0xA;
	s2 =	sadd.s32 s3, s2  }
0x8d: {  	s2 =	sadd.s32 s2, s17  }
0x8e: {  	[smem:$0x3FC6] =	sst s2  }
0x8f: {  	_ = 	snop  }
0x90: {  	s2 =	sld [smem:$0x3FC9]  }
0x91: {  	s18 =	sld [smem:$0x3FD0];
	(tm) =	ssettm $0x1  }
0x92: {  	s4 =	sld [smem:$0x3FFB];
	_ =	sdelay $0x3  }
0x93: {  	_ =	strace s4  }
0x94: {  	s4 =	sld [smem:$0x3FFC];
	_ =	sdelay $0x3  }
0x95: {  	_ =	strace s4  }
0x96: {  	s4 =	sld [smem:$0x3FFD];
	_ =	sdelay $0x3  }
0x97: {  	_ =	strace s4  }
0x98: {  	_ =	strace $0x8FFFFFFF  }
0x99: {  	s19 =	sld [smem:$0x3FDB];
	_ =	sdelay $0x1  }
0x9a: {  	s5 =	simm.s32 $_scs_section_size  }
0x9b: {  	s6 =	simm.s32 $_size__tile_overlayer_lowered;
	s7 =	simm.s32 $_tile_overlayer_lowered  }
0x9c: {  	s22 =	simm.s32 $0x1BFF;
	s21 =	sshll.u32 s7, $0x1;
	s4 =	sadd.s32 s5, s19  }
0x9d: {  	s8 =	simm.s32 $0x0;
	s20 =	sshll.u32 s6, $0x1;
	s6 =	sadd.s32 s21, s4  }
0x9e: {  	[timem:s8], [sflag:s22] =	dma.local [hbm:s6], s20  }
0x9f: {  	_ =	swait.ge [sflag:s22], s20  }
0xa0: {  	s5 =	ssub.s32 $0x0, s20;
	[sflag:s22] =	ssyncset.done $0x0  }
0xa1: {  	[sflag:s22] =	ssyncadd.s32 s5;
	_ =	sdelay $0x1  }
0xa2: {  	s23 =	simm.s32 $0x1B8B  }
0xa3: {  	_ =	swait.ge [sflag:s23], $0x1  }
0xa4: {  	[sflag:s23] =	ssyncset.done $0x0  }
0xa5: {  	s25 =	simm.s32 $0x1B8E;
	s24 =	sld [smem:$0x3FFE];
	[sflag:s23] =	ssyncadd.s32 $0xFFFFFFFF  }
0xa6: {  	s26 =	simm.s32 $execute0_lowered;
	[smem:$0x3FD2] =	sst s25  }
0xa7: {  	s6 =	sshll.u32 s26, $0x1;
	_ =	strace $0x80000046;
	[dreg:$0x1] =	wrdreg $0xFFFFFFFF  }
0xa8: {  	s28 =	simm.s32 $_size_execute0_lowered;
	s4 =	sadd.s32 s4, s6;
	[dreg:$0x0] =	wrdreg $0x0  }
0xa9: {  	s6 =	sshll.u32 s28, $0x1;
	[dreg:$0x2] =	wrdreg s4  }
0xaa: {  	[dreg:$0x3] =	wrdreg s6  }
0xab: {  	[dreg:$0x4] =	wrdreg $0xC0  }
0xac: {  	_ =	task [dreg:s8], $0x5FFFF  }
0xad: {  	[dreg:$0x1] =	wrdreg $0xFFFFFFFF  }
0xae: {  	[dreg:$0x0] =	wrdreg $0x60  }
0xaf: {  	[dreg:$0x2] =	wrdreg s2  }
0xb0: {  	[dreg:$0x3] =	wrdreg s24  }
0xb1: {  	[dreg:$0x4] =	wrdreg s18  }
0xb2: {  	[dreg:$0x5] =	wrdreg $0xB8000  }
0xb3: {  	[dreg:$0x6] =	wrdreg $0x9  }
0xb4: {  	_ =	task.clear_ibuf [dreg:s8], $0x7FFFF;
	_ =	strace $0x90000046  }
0xb5: {  	s29 =	simm.s32 $0x9;
	_ =	strace $0x80000048  }
0xb6: {  	_ =	swait.ge [sflag:s29], $0x1  }
0xb7: {  	[sflag:s29] =	ssyncadd.s32 $0xFFFFFFFF  }
0xb8: {  	_ =	strace $0x90000048  }
0xb9: {  	_ =	sfence  }
0xba: {  	s30 =	sld [smem:$0x0];
	_ =	sdelay $0x2  }
0xbb: {  	s31 =	sshll.u32 s1, $0xD;
	s1 =	sshrl.u32 s1, $0x2  }
0xbc: {  	s3 =	sand.u32 $0x4000, s31;
	s1 =	sadd.s32 s1, s30  }
0xbd: {  	s0 =	sor.u32 s3, s0;
	s1 =	sshll.u32 s1, $0x11  }
0xbe: {  	s0 =	sor.u32 s1, s0  }
0xbf: {  	s0 =	sadd.s32 $0x8F2B, s0  }
0xc0: {  	[sflag:s0] =	ssyncadd.remote.s32 $0x1  }
0xc1: {  	_ =	sfence.sel $0xFFFF  }
0xc2: {  	[dreg:$0x0] =	wrdreg $0xFFFFFFFF;
	(pc) =	sbr.abs _section_cstart, $3  }
0xc3: {  	[dreg:$0x1] =	wrdreg $0xFFFFFFFF  }
0xc4: {  	_ =	task.clear_ibuf [dreg:s8], $0x2FFFF;
	_ =	strace $0x9FFFFFFF  }
0xc5: {  	(tm) =	ssettm $0x7FFFFFFF  }
tec
execute0_lowered:
.L_overlay_start_1:
0x0: {  	(tag) =	ssettag $0x1  }
0x1: {  	s0 =	rddreg [dreg:$0x0]  }
0x2: {  	s1 =	rddreg [dreg:$0x1]  }
0x3: {  	s4 =	rddreg [dreg:$0x2]  }
0x4: {  	s2 =	rddreg [dreg:$0x3]  }
0x5: {  	s5 =	srdreg.scid;
	s18 =	stileid.u32;
	s3 =	simm.s32 $0x0  }
0x6: {  	s28 =	simm.s32 $0x50;
	s29 =	simm.s32 $0x6;
	s21 =	smul.u32 $0x50000, s18  }
0x7: {  	s30 =	simm.s32 $0x4;
	s6 =	sand.u32 $0x1, s5;
	s17 =	smul.u32 $0x14000, s18  }
0x8: {  	s31 =	simm.s32 $0x5;
	s20 =	sshll.u32 s18, $0x1;
	s16 =	smul.u32 $0x140000, s6  }
0x9: {  	[smem:$0x7FF] =	sst s3;
	s10 =	sor.u32 s6, s20;
	s20 =	smul.u32 $0x4E200, s18  }
0xa: {  	_ =	strace $0x80000047;
	s8 =	ssub.s32 $0x2, s6;
	s6 =	smul.u32 $0x27100, s6  }
0xb: {  	s7 =	sshll.u32 s10, $0xB;
	s22 =	sshrl.u32 s8, $0x1;
	s25 =	smul.u32 $0x138800, s10  }
0xc: {  	s5 =	sshrl.u32 s21, $0x2;
	s13 =	smul.u32 $0x27100, s10;
	s21 =	simm.s32 $0x4000  }
0xd: {  	s1 =	sadd.s32 s7, s1;
	s19 =	ssub.s32 s8, s22;
	s5 =	sadd.s32 s5, s2  }
0xe: {  	s17 =	sadd.s32 s17, s16;
	s22 =	simm.s32 $0x2;
	s1 =	sadd.s32 $0x400, s1  }
0xf: {  	s23 =	sadd.s32 $0x2800, s5;
	s24 =	sadd.s32 $0x5000, s5;
	s8 =	sadd.s32 $0x7800, s5  }
0x10: {  	s9 =	sadd.s32 $0xA000, s5;
	s10 =	sadd.s32 $0xC800, s5;
	s11 =	sadd.s32 $0xF000, s5  }
0x11: {  	s12 =	sadd.s32 $0x11800, s5;
	s13 =	sadd.s32 s0, s13;
	[dreg:$0x5] =	wrdreg s1  }
0x12: {  	s26 =	sshrl.u32 s17, $0x3;
	s19 =	smax.u32 s19, $0x1;
	[dreg:$0x6] =	wrdreg s23  }
0x13: {  	[dreg:$0x7] =	wrdreg s24;
	s1 =	sshrl.u32 s25, $0x3;
	s18 =	sadd.s32 s4, s26  }
0x14: {  	s23 =	simm.s32 $0x6800;
	s24 =	simm.s32 $0x9000;
	s25 =	simm.s32 $0x1  }
0x15: {  	s26 =	simm.s32 $0x3;
	s1 =	sadd.s32 s0, s1;
	s0 =	sadd.s32 s20, s0  }
0x16: {  	s14 =	sadd.s32 $0x500, s1;
	s15 =	sadd.s32 $0xA00, s1;
	s16 =	sadd.s32 $0x26700, s1  }
0x17: {  	v0 =	vimm.f32 $0.0e+00;
	s17 =	sadd.s32 $0x26C00, s1;
	s20 =	sadd.s32 s6, s0;
	s1 =	simm.s32 $0x0  }
.LBB2_1:
0x18: {  	s0 =	rddreg [dreg:$0x5]  }
0x19: {  	[tilespmem:s3], [sflag:$0x1] =	stream.linear.gather [hbm4b:s0+s3], $0x3E80, $0x38;
	[tilespmem:$0x1F800] =	vst v63  }
0x1a: {  	s4 =	simm.s32 $0x3C0;
	s0 =	simm.s32 $0x70  }
.LBB2_2:
0x1b: {  	p0 =	sne.s32 s4, $0x9FC0;
	[tilespmem:s0+$0x4000] =	vst v0  }
0x1c: {  	[tilespmem:s0+$0x3F90] =	vst v0  }
0x1d: {  	[tilespmem:s0+$0x3FA0] =	vst v0  }
.Ltmp0:
0x1e: {  	[tilespmem:s0+$0x3FB0] =	vst v0;
	(pc) =	sbr.rel @p0 .LBB2_2-.Ltmp0, $4  }
0x1f: {  	[tilespmem:s0+$0x3FC0] =	vst v0  }
0x20: {  	[tilespmem:s0+$0x3FD0] =	vst v0  }
0x21: {  	[tilespmem:s0+$0x3FE0] =	vst v0  }
0x22: {  	[tilespmem:s0+$0x3FF0] =	vst v0;
	s0 =	sshra.s32 s4, $0x2;
	s4 =	sadd.s32 $0x200, s4  }
0x23: {  	[tilespmem:s0+$0x4000] =	vst v0  }
0x24: {  	[tilespmem:s0+$0x3F90] =	vst v0  }
0x25: {  	[tilespmem:s0+$0x3FA0] =	vst v0  }
0x26: {  	[tilespmem:s0+$0x3FB0] =	vst v0  }
0x27: {  	[tilespmem:s0+$0x3FC0] =	vst v0  }
0x28: {  	[tilespmem:s0+$0x3FD0] =	vst v0  }
0x29: {  	[tilespmem:s0+$0x3FE0] =	vst v0  }
0x2a: {  	[tilespmem:s0+$0x3FF0] =	vst v0  }
0x2b: {  	[spmem:s5] =	stream.linear.scatter [tilespmem:s21], [sflag:$0x2], $0x2800, $0x38;
	[tilespmem:$0x1F800] =	vst v63  }
0x2c: {  	s4 =	rddreg [dreg:$0x6]  }
0x2d: {  	[spmem:s4] =	stream.linear.scatter [tilespmem:s21], [sflag:$0x2], $0x2800, $0x38;
	[tilespmem:$0x1F800] =	vst v63  }
0x2e: {  	s6 =	rddreg [dreg:$0x7]  }
0x2f: {  	[spmem:s6] =	stream.linear.scatter [tilespmem:s21], [sflag:$0x2], $0x2800, $0x38;
	[tilespmem:$0x1F800] =	vst v63  }
0x30: {  	_ = 	snop  }
0x31: {  	[spmem:s8] =	stream.linear.scatter [tilespmem:s21], [sflag:$0x2], $0x2800, $0x38;
	[tilespmem:$0x1F800] =	vst v63  }
0x32: {  	_ = 	snop  }
0x33: {  	[spmem:s9] =	stream.linear.scatter [tilespmem:s21], [sflag:$0x2], $0x2800, $0x38;
	[tilespmem:$0x1F800] =	vst v63  }
0x34: {  	_ = 	snop  }
0x35: {  	[spmem:s10] =	stream.linear.scatter [tilespmem:s21], [sflag:$0x2], $0x2800, $0x38;
	[tilespmem:$0x1F800] =	vst v63  }
0x36: {  	_ = 	snop  }
0x37: {  	[spmem:s11] =	stream.linear.scatter [tilespmem:s21], [sflag:$0x2], $0x2800, $0x38;
	[tilespmem:$0x1F800] =	vst v63  }
0x38: {  	_ = 	snop  }
0x39: {  	[spmem:s12] =	stream.linear.scatter [tilespmem:s21], [sflag:$0x2], $0x2800, $0x38;
	[tilespmem:$0x1F800] =	vst v63  }
0x3a: {  	_ =	swait.ge [sflag:s22], $0x2800  }
0x3b: {  	[sflag:s22] =	ssyncset.done $0x0  }
0x3c: {  	[sflag:s22] =	ssyncadd.s32 $0xFFFFD800  }
0x3d: {  	_ =	swait.ge [sflag:s22], $0x2800  }
0x3e: {  	[sflag:s22] =	ssyncset.done $0x0  }
0x3f: {  	[sflag:s22] =	ssyncadd.s32 $0xFFFFD800  }
0x40: {  	_ =	swait.ge [sflag:s22], $0x2800  }
0x41: {  	[sflag:s22] =	ssyncset.done $0x0  }
0x42: {  	[sflag:s22] =	ssyncadd.s32 $0xFFFFD800  }
0x43: {  	_ =	swait.ge [sflag:s22], $0x2800  }
0x44: {  	[sflag:s22] =	ssyncset.done $0x0  }
0x45: {  	[sflag:s22] =	ssyncadd.s32 $0xFFFFD800  }
0x46: {  	_ =	swait.ge [sflag:s22], $0x2800  }
0x47: {  	[sflag:s22] =	ssyncset.done $0x0  }
0x48: {  	[sflag:s22] =	ssyncadd.s32 $0xFFFFD800  }
0x49: {  	_ =	swait.ge [sflag:s22], $0x2800  }
0x4a: {  	[sflag:s22] =	ssyncset.done $0x0  }
0x4b: {  	[sflag:s22] =	ssyncadd.s32 $0xFFFFD800  }
0x4c: {  	_ =	swait.ge [sflag:s22], $0x2800  }
0x4d: {  	[sflag:s22] =	ssyncset.done $0x0  }
0x4e: {  	[sflag:s22] =	ssyncadd.s32 $0xFFFFD800  }
0x4f: {  	_ =	swait.ge [sflag:s22], $0x2800  }
0x50: {  	[sflag:s22] =	ssyncset.done $0x0  }
0x51: {  	[sflag:s22] =	ssyncadd.s32 $0xFFFFD800  }
0x52: {  	s7 =	simm.s32 $0x0;
	[bflag:$0x0] =	sbarrier.arrive $0xFFFF  }
0x53: {  	[tilespmem:s21], [sflag:$0x3] =	stream.linear.gather [hbm4b:s13+s7], $0x2800, $0x38;
	[tilespmem:$0x1F800] =	vst v63  }
0x54: {  	_ = 	snop  }
0x55: {  	[tilespmem:s23], [sflag:$0x4] =	stream.linear.gather [hbm4b:s14+s7], $0x2800, $0x38;
	[tilespmem:$0x1F800] =	vst v63  }
0x56: {  	_ = 	snop  }
0x57: {  	[tilespmem:s24], [sflag:$0x5] =	stream.linear.gather [hbm4b:s15+s7], $0x2800, $0x38;
	[tilespmem:$0x1F800] =	vst v63  }
0x58: {  	_ =	swait.ge [sflag:s25], $0x3E80  }
0x59: {  	[sflag:s25] =	ssyncset.done $0x0  }
0x5a: {  	[sflag:s25] =	ssyncadd.s32 $0xFFFFC180  }
0x5b: {  	_ =	swait.ge [sflag:s26], $0x2800  }
0x5c: {  	[sflag:s26] =	ssyncset.done $0x0  }
0x5d: {  	s4 =	simm.s32 $0x0;
	[sflag:s26] =	ssyncadd.s32 $0xFFFFD800  }
0x5e: {  	[spmem:s2] =	stream.indirect.scatter.add.f32 [tilespmem:s21], [sflag:$0x6], $0x80, s4, s28, $0xb8;
	[tilespmem:$0x1F800] =	vst v63  }
0x5f: {  	_ =	swait.ge [sflag:s29], $0x2800  }
0x60: {  	s4 =	sadd.s32 $0x0, s20;
	[sflag:s29] =	ssyncset.done $0x0  }
0x61: {  	s6 =	sadd.s32 $0xF00, s4;
	[sflag:s29] =	ssyncadd.s32 $0xFFFFD800  }
0x62: {  	[tilespmem:s21], [sflag:$0x3] =	stream.linear.gather [hbm4b:s6+s3], $0x2800, $0x38;
	[tilespmem:$0x1F800] =	vst v63  }
0x63: {  	_ =	swait.ge [sflag:s30], $0x2800  }
0x64: {  	[sflag:s30] =	ssyncset.done $0x0  }
0x65: {  	s7 =	simm.s32 $0x80;
	[sflag:s30] =	ssyncadd.s32 $0xFFFFD800  }
0x66: {  	[spmem:s2] =	stream.indirect.scatter.add.f32 [tilespmem:s23], [sflag:$0x6], $0x80, s7, s28, $0xb8;
	[tilespmem:$0x1F800] =	vst v63  }
0x67: {  	_ =	swait.ge [sflag:s29], $0x2800  }
0x68: {  	[sflag:s29] =	ssyncset.done $0x0  }
0x69: {  	s6 =	sadd.s32 $0x1400, s4;
	[sflag:s29] =	ssyncadd.s32 $0xFFFFD800  }
0x6a: {  	[tilespmem:s23], [sflag:$0x4] =	stream.linear.gather [hbm4b:s6+s3], $0x2800, $0x38;
	[tilespmem:$0x1F800] =	vst v63  }
0x6b: {  	_ =	swait.ge [sflag:s31], $0x2800  }
0x6c: {  	[sflag:s31] =	ssyncset.done $0x0  }
0x6d: {  	s7 =	simm.s32 $0x100;
	[sflag:s31] =	ssyncadd.s32 $0xFFFFD800  }
0x6e: {  	[spmem:s2] =	stream.indirect.scatter.add.f32 [tilespmem:s24], [sflag:$0x6], $0x80, s7, s28, $0xb8;
	[tilespmem:$0x1F800] =	vst v63  }
0x6f: {  	_ =	swait.ge [sflag:s29], $0x2800  }
0x70: {  	s0 =	simm.s32 $0xF00;
	[sflag:s29] =	ssyncset.done $0x0  }
0x71: {  	s6 =	sadd.s32 $0x1900, s4;
	s4 =	simm.s32 $0x280;
	[sflag:s29] =	ssyncadd.s32 $0xFFFFD800  }
.LBB2_4:
0x72: {  	[tilespmem:s24], [sflag:$0x5] =	stream.linear.gather [hbm4b:s6+s3], $0x2800, $0x38;
	[tilespmem:$0x1F800] =	vst v63  }
0x73: {  	s6 =	smov.u32 s0  }
0x74: {  	p0 =	sne.s32 s0, $0x24900;
	s0 =	sadd.s32 $0xF00, s0;
	_ =	swait.ge [sflag:s26], $0x2800  }
0x75: {  	[sflag:s26] =	ssyncset.done $0x0  }
0x76: {  	s7 =	sadd.s32 $0xFFFFFF00, s4;
	[sflag:s26] =	ssyncadd.s32 $0xFFFFD800  }
0x77: {  	[spmem:s2] =	stream.indirect.scatter.add.f32 [tilespmem:s21], [sflag:$0x6], $0x80, s7, s28, $0xb8;
	[tilespmem:$0x1F800] =	vst v63  }
0x78: {  	_ =	swait.ge [sflag:s29], $0x2800  }
0x79: {  	s6 =	sadd.s32 s6, s20;
	[sflag:s29] =	ssyncset.done $0x0  }
0x7a: {  	s7 =	sadd.s32 $0xF00, s6;
	[sflag:s29] =	ssyncadd.s32 $0xFFFFD800  }
0x7b: {  	[tilespmem:s21], [sflag:$0x3] =	stream.linear.gather [hbm4b:s7+s3], $0x2800, $0x38;
	[tilespmem:$0x1F800] =	vst v63  }
0x7c: {  	_ =	swait.ge [sflag:s30], $0x2800  }
0x7d: {  	[sflag:s30] =	ssyncset.done $0x0  }
0x7e: {  	s7 =	sadd.s32 $0xFFFFFF80, s4;
	[sflag:s30] =	ssyncadd.s32 $0xFFFFD800  }
0x7f: {  	[spmem:s2] =	stream.indirect.scatter.add.f32 [tilespmem:s23], [sflag:$0x6], $0x80, s7, s28, $0xb8;
	[tilespmem:$0x1F800] =	vst v63  }
0x80: {  	_ =	swait.ge [sflag:s29], $0x2800  }
0x81: {  	[sflag:s29] =	ssyncset.done $0x0  }
0x82: {  	s7 =	sadd.s32 $0x1400, s6;
	[sflag:s29] =	ssyncadd.s32 $0xFFFFD800  }
0x83: {  	[tilespmem:s23], [sflag:$0x4] =	stream.linear.gather [hbm4b:s7+s3], $0x2800, $0x38;
	[tilespmem:$0x1F800] =	vst v63  }
0x84: {  	_ =	swait.ge [sflag:s31], $0x2800  }
0x85: {  	[sflag:s31] =	ssyncset.done $0x0  }
.Ltmp1:
0x86: {  	[sflag:s31] =	ssyncadd.s32 $0xFFFFD800;
	(pc) =	sbr.rel @p0 .LBB2_4-.Ltmp1, $4  }
0x87: {  	[spmem:s2] =	stream.indirect.scatter.add.f32 [tilespmem:s24], [sflag:$0x6], $0x80, s4, s28, $0xb8;
	[tilespmem:$0x1F800] =	vst v63  }
0x88: {  	_ =	swait.ge [sflag:s29], $0x2800  }
0x89: {  	[sflag:s29] =	ssyncset.done $0x0  }
0x8a: {  	s6 =	sadd.s32 $0x1900, s6;
	s4 =	sadd.s32 $0x180, s4;
	[sflag:s29] =	ssyncadd.s32 $0xFFFFD800  }
0x8b: {  	[tilespmem:s24], [sflag:$0x5] =	stream.linear.gather [hbm4b:s6+s3], $0x2800, $0x38;
	[tilespmem:$0x1F800] =	vst v63  }
0x8c: {  	_ =	swait.ge [sflag:s26], $0x2800  }
0x8d: {  	[sflag:s26] =	ssyncset.done $0x0  }
0x8e: {  	s0 =	simm.s32 $0x3C00;
	[sflag:s26] =	ssyncadd.s32 $0xFFFFD800  }
0x8f: {  	[spmem:s2] =	stream.indirect.scatter.add.f32 [tilespmem:s21], [sflag:$0x6], $0x80, s0, s28, $0xb8;
	[tilespmem:$0x1F800] =	vst v63  }
0x90: {  	_ =	swait.ge [sflag:s29], $0x2800  }
0x91: {  	[sflag:s29] =	ssyncset.done $0x0  }
0x92: {  	[sflag:s29] =	ssyncadd.s32 $0xFFFFD800  }
0x93: {  	[tilespmem:s21], [sflag:$0x3] =	stream.linear.gather [hbm4b:s16+s3], $0x2800, $0x38;
	[tilespmem:$0x1F800] =	vst v63  }
0x94: {  	_ =	swait.ge [sflag:s30], $0x2800  }
0x95: {  	[sflag:s30] =	ssyncset.done $0x0  }
0x96: {  	s6 =	simm.s32 $0x3C80;
	[sflag:s30] =	ssyncadd.s32 $0xFFFFD800  }
0x97: {  	[spmem:s2] =	stream.indirect.scatter.add.f32 [tilespmem:s23], [sflag:$0x6], $0x80, s6, s28, $0xb8;
	[tilespmem:$0x1F800] =	vst v63  }
0x98: {  	_ =	swait.ge [sflag:s29], $0x2800  }
0x99: {  	[sflag:s29] =	ssyncset.done $0x0  }
0x9a: {  	[sflag:s29] =	ssyncadd.s32 $0xFFFFD800  }
0x9b: {  	[tilespmem:s23], [sflag:$0x4] =	stream.linear.gather [hbm4b:s17+s3], $0x2800, $0x38;
	[tilespmem:$0x1F800] =	vst v63  }
0x9c: {  	_ =	swait.ge [sflag:s31], $0x2800  }
0x9d: {  	[sflag:s31] =	ssyncset.done $0x0  }
0x9e: {  	s7 =	simm.s32 $0x3D00;
	[sflag:s31] =	ssyncadd.s32 $0xFFFFD800  }
0x9f: {  	[spmem:s2] =	stream.indirect.scatter.add.f32 [tilespmem:s24], [sflag:$0x6], $0x80, s7, s28, $0xb8;
	[tilespmem:$0x1F800] =	vst v63  }
0xa0: {  	_ =	swait.ge [sflag:s29], $0x2800  }
0xa1: {  	[sflag:s29] =	ssyncset.done $0x0  }
0xa2: {  	[sflag:s29] =	ssyncadd.s32 $0xFFFFD800  }
0xa3: {  	_ =	swait.ge [sflag:s26], $0x2800  }
0xa4: {  	[sflag:s26] =	ssyncset.done $0x0  }
0xa5: {  	s4 =	simm.s32 $0x3D80;
	[sflag:s26] =	ssyncadd.s32 $0xFFFFD800  }
0xa6: {  	[spmem:s2] =	stream.indirect.scatter.add.f32 [tilespmem:s21], [sflag:$0x6], $0x80, s4, s28, $0xb8;
	[tilespmem:$0x1F800] =	vst v63  }
0xa7: {  	_ =	swait.ge [sflag:s29], $0x2800  }
0xa8: {  	[sflag:s29] =	ssyncset.done $0x0  }
0xa9: {  	[sflag:s29] =	ssyncadd.s32 $0xFFFFD800  }
0xaa: {  	_ =	swait.ge [sflag:s30], $0x2800  }
0xab: {  	[sflag:s30] =	ssyncset.done $0x0  }
0xac: {  	s6 =	simm.s32 $0x3E00;
	[sflag:s30] =	ssyncadd.s32 $0xFFFFD800  }
0xad: {  	[spmem:s2] =	stream.indirect.scatter.add.f32 [tilespmem:s23], [sflag:$0x6], $0x80, s6, s28, $0xb8;
	[tilespmem:$0x1F800] =	vst v63  }
0xae: {  	s7 =	stileid.u32;
	_ =	swait.ge [sflag:s29], $0x2800  }
0xaf: {  	s1 =	sadd.s32 $0x1, s1;
	s0 =	sshll.u32 s7, $0x6;
	[sflag:s29] =	ssyncset.done $0x0  }
0xb0: {  	p0 =	sne.s32 s1, s19;
	s0 =	sor.u32 $0x1C06, s0;
	[sflag:s29] =	ssyncadd.s32 $0xFFFFD800  }
.Ltmp2:
0xb1: {  	s4 =	sshrl.u32 s5, $0x3;
	[bflag:$0x0] =	sbarrier.arrive $0xFFFF;
	(pc) =	sbr.rel @p0 .LBB2_1-.Ltmp2, $4  }
0xb2: {  	[hbm:s18], [sflag:s0] =	dma.local [spmem:s4], $0x2800  }
0xb3: {  	_ =	swait.ge [sflag:s29], $0x2800  }
0xb4: {  	[sflag:s29] =	ssyncset.done $0x0  }
0xb5: {  	[sflag:s29] =	ssyncadd.s32 $0xFFFFD800  }
0xb6: {  	_ =	sfence.sel $0x180000  }
0xb7: {  	[bflag:$0x0] =	sbarrier.arrive $0xFFFF  }
0xb8: {  	_ =	strace $0x90000047  }
0xb9: {  	s0 =	stileid.u32;
	[bflag:$0x2] =	sbarrier.arrive $0xFFFF  }
0xba: {  	p0 =	sne.s32 s0, $0x0;
	s0 =	rddreg [dreg:$0x4]  }
0xbb: {  	s0 =	sadd.s32 @!p0 $0x100000, s0  }
0xbc: {  	[sflag:s0] =	ssyncadd.tile.s32 @!p0 $0x1;
	_ =	shalt  }
.Lfunc_end2:
_tile_overlayer_lowered:
.L_overlay_start_2:
0xbd: {  	(tag) =	ssettag $0x2  }
0xbe: {  	s0 =	rddreg [dreg:$0x0];
	s2 =	stileid.u32  }
0xbf: {  	s1 =	rddreg [dreg:$0x1];
	p0 =	sne.s32 s2, $0x0  }
0xc0: {  	s3 =	rddreg [dreg:$0x2];
	[bflag:$0x3] =	sbarrier.arrive $0xFFFF;
	s2 =	simm.s32 @!p0 $0x1C06  }
0xc1: {  	[timem:s3], [sflag:s2] =	dma.local @!p0 [hbm:s0], s1  }
0xc2: {  	s0 =	simm.s32 @!p0 $0x6  }
0xc3: {  	_ =	swait.ge @!p0 [sflag:s0], s1  }
0xc4: {  	s1 =	ssub.s32 @!p0 $0x0, s1;
	[sflag:s0] =	ssyncset.done @!p0 $0x0  }
0xc5: {  	[sflag:s0] =	ssyncadd.s32 @!p0 s1  }
0xc6: {  	[bflag:$0x3] =	sbarrier.arrive $0xFFFF  }
0xc7: {  	_ =	shalt  }

</sc_bundles>
